<compile_context>
chip_gen: v7x
topology: tpu7x:2x2x1
jax: 0.10.2.dev20260603
libtpu: 0.0.44.dev20260713+nightly
codegen_flags: <defaults>
</compile_context>

<pallas_src>
import jax
import jax.numpy as jnp
from jax import lax
from jax.experimental import pallas as pl
from jax.experimental.pallas import tpu as pltpu
from jax.experimental.pallas import tpu_sc as plsc

R, N = 128, 32768
NC, NS, L = 2, 16, 16
NW = NC * NS
RPW = R // NW
U = 8
SLICES = N // L


def _argmax_body(x_hbm, out_hbm, buf0, buf1, res_v, sem0, sem1):
    wid = lax.axis_index("s") * NC + lax.axis_index("c")
    row0 = wid * RPW
    bufs = (buf0, buf1)
    sems = (sem0, sem1)
    lanes = lax.iota(jnp.int32, L)

    pltpu.make_async_copy(x_hbm.at[row0], buf0, sem0).start()

    res = jnp.zeros((L,), jnp.int32)
    for t in range(RPW):
        buf, sem = bufs[t % 2], sems[t % 2]
        if t + 1 < RPW:
            nxt = (t + 1) % 2
            pltpu.make_async_copy(x_hbm.at[row0 + t + 1], bufs[nxt], sems[nxt]).start()
        pltpu.make_async_copy(x_hbm.at[row0 + t], buf, sem).wait()

        def inner(i, carry):
            vmax, vit = carry
            for u in range(U):
                it = i * U + u
                x = buf[pl.ds(it * L, L)]
                upd = x > vmax
                vmax = jnp.maximum(x, vmax)
                vit = jnp.where(upd, it, vit)
            return vmax, vit

        vmax0 = jnp.full((L,), -jnp.inf, jnp.float32)
        vit0 = jnp.zeros((L,), jnp.int32)
        vmax, vit = lax.fori_loop(0, SLICES // U, inner, (vmax0, vit0))

        m = jnp.max(vmax)
        g = vit * L + lanes
        cand = jnp.where(vmax == m, g, jnp.int32(2**31 - 1))
        idx = jnp.min(cand)
        res = jnp.where(lanes == t, idx, res)

    res_v[...] = res
    pltpu.sync_copy(res_v, out_hbm.at[wid])


_call = pl.kernel(
    _argmax_body,
    mesh=plsc.VectorSubcoreMesh(core_axis_name="c", subcore_axis_name="s"),
    compiler_params=pltpu.CompilerParams(needs_layout_passes=False),
    out_type=jax.ShapeDtypeStruct((NW, L), jnp.int32),
    scratch_types=[
        pltpu.VMEM((N,), jnp.float32),
        pltpu.VMEM((N,), jnp.float32),
        pltpu.VMEM((L,), jnp.int32),
        pltpu.SemaphoreType.DMA,
        pltpu.SemaphoreType.DMA,
    ],
)


@jax.jit
def kernel(inputs):
    out = _call(inputs)
    return out[:, :RPW].reshape(R)

# --- scband reference (transcript-rebuilt; emitter-appended) ---
"""Pipeline reference for scband-arg-max-cluster-layer-13503377178861 (READ-ONLY COPY).

The authoritative reference and input builder live on the scoring server;
editing this copy changes nothing except your own understanding.
"""

import jax, jax.numpy as jnp
import numpy as np

def setup_inputs(seed: int = 0) -> dict:
    key = jax.random.key(seed)
    inputs = jax.random.normal(key, (128, 32768), dtype=jnp.float32)
    return {"inputs": inputs}

def reference(inputs):
    # Faithful translation of ArgMaxClusterLayer.call: argmax over axis 1
    res = jnp.argmax(inputs, axis=1)
    return res

if __name__ == "__main__":
    import jax
    _d = setup_inputs()
    print(jax.jit(kernel)(*tuple(_d.values())))

</pallas_src>

<mosaic_0001>
#map = affine_map<(d0, d1) -> (0, 0)>
module attributes {stable_mosaic.version = 14 : i64} {
  func.func @_argmax_body(%arg0: i32, %arg1: i32, %arg2: memref<128x32768xf32, #tpu.memory_space<hbm>>, %arg3: memref<32x16xi32, #tpu.memory_space<hbm>>, %arg4: memref<32768xf32, #tpu.memory_space<vmem>>, %arg5: memref<32768xf32, #tpu.memory_space<vmem>>, %arg6: memref<16xi32, #tpu.memory_space<vmem>>, %arg7: memref<!tpu.dma_semaphore, #tpu.memory_space<semaphore_mem>>, %arg8: memref<!tpu.dma_semaphore, #tpu.memory_space<semaphore_mem>>) attributes {dimension_semantics = [#tpu.dimension_semantics<core_parallel>, #tpu.dimension_semantics<subcore_parallel>], iteration_bounds = array<i64: 2, 16>, scalar_prefetch = 0 : i64, scratch_operands = 5 : i64, tpu.core_type = #tpu.core_type<sc_vector_subcore>, window_params = [{transform_indices = #map}, {transform_indices = #map}]} {
    %mul3A = arith.constant 2 : i32
    %mul3A_0 = arith.muli %arg1, %mul3A : i32
    %add3A = arith.addi %mul3A_0, %arg0 : i32
    %mul3A_1 = arith.constant 4 : i32
    %mul3A_2 = arith.muli %add3A, %mul3A_1 : i32
    %iota3A = tpu.iota {dimensions = array<i32: 0>} : vector<16xi32>
    %dma_start3A = arith.constant 0 : i32
    %dma_start3A_3 = tpu.memref_slice %arg2[%mul3A_2, %dma_start3A] : memref<128x32768xf32, #tpu.memory_space<hbm>> -> memref<1x32768xf32, #tpu.memory_space<hbm>>
    %dma_start3A_4 = tpu.memref_squeeze %dma_start3A_3 : memref<1x32768xf32, #tpu.memory_space<hbm>> -> memref<32768xf32, #tpu.memory_space<hbm>>
    %dma_start3A_5 = arith.constant 0 : i32
    %dma_start3A_6 = tpu.memref_slice %arg2[%mul3A_2, %dma_start3A_5] : memref<128x32768xf32, #tpu.memory_space<hbm>> -> memref<1x32768xf32, #tpu.memory_space<hbm>>
    %dma_start3A_7 = tpu.memref_squeeze %dma_start3A_6 : memref<1x32768xf32, #tpu.memory_space<hbm>> -> memref<32768xf32, #tpu.memory_space<hbm>>
    tpu.enqueue_dma source(%dma_start3A_7 : memref<32768xf32, #tpu.memory_space<hbm>>) target(%arg4 : memref<32768xf32, #tpu.memory_space<vmem>>) target_semaphore(%arg7 : memref<!tpu.dma_semaphore, #tpu.memory_space<semaphore_mem>>)
    %broadcast_in_dim3A = arith.constant 0 : i32
    %broadcast_in_dim3A_8 = vector.broadcast %broadcast_in_dim3A : i32 to vector<16xi32>
    %add3A_9 = arith.constant 0 : i32
    %add3A_10 = arith.addi %mul3A_2, %add3A_9 : i32
    %add3A_11 = arith.constant 1 : i32
    %add3A_12 = arith.addi %add3A_10, %add3A_11 : i32
    %dma_start3A_13 = arith.constant 0 : i32
    %dma_start3A_14 = tpu.memref_slice %arg2[%add3A_12, %dma_start3A_13] : memref<128x32768xf32, #tpu.memory_space<hbm>> -> memref<1x32768xf32, #tpu.memory_space<hbm>>
    %dma_start3A_15 = tpu.memref_squeeze %dma_start3A_14 : memref<1x32768xf32, #tpu.memory_space<hbm>> -> memref<32768xf32, #tpu.memory_space<hbm>>
    %dma_start3A_16 = arith.constant 0 : i32
    %dma_start3A_17 = tpu.memref_slice %arg2[%add3A_12, %dma_start3A_16] : memref<128x32768xf32, #tpu.memory_space<hbm>> -> memref<1x32768xf32, #tpu.memory_space<hbm>>
    %dma_start3A_18 = tpu.memref_squeeze %dma_start3A_17 : memref<1x32768xf32, #tpu.memory_space<hbm>> -> memref<32768xf32, #tpu.memory_space<hbm>>
    tpu.enqueue_dma source(%dma_start3A_18 : memref<32768xf32, #tpu.memory_space<hbm>>) target(%arg5 : memref<32768xf32, #tpu.memory_space<vmem>>) target_semaphore(%arg8 : memref<!tpu.dma_semaphore, #tpu.memory_space<semaphore_mem>>)
    %add3A_19 = arith.constant 0 : i32
    %add3A_20 = arith.addi %mul3A_2, %add3A_19 : i32
    %dma_wait3A = arith.constant 0 : i32
    %dma_wait3A_21 = tpu.memref_slice %arg2[%add3A_20, %dma_wait3A] : memref<128x32768xf32, #tpu.memory_space<hbm>> -> memref<1x32768xf32, #tpu.memory_space<hbm>>
    %dma_wait3A_22 = tpu.memref_squeeze %dma_wait3A_21 : memref<1x32768xf32, #tpu.memory_space<hbm>> -> memref<32768xf32, #tpu.memory_space<hbm>>
    %dma_wait3A_23 = arith.constant 0 : i32
    %dma_wait3A_24 = tpu.memref_slice %arg2[%add3A_20, %dma_wait3A_23] : memref<128x32768xf32, #tpu.memory_space<hbm>> -> memref<1x32768xf32, #tpu.memory_space<hbm>>
    %dma_wait3A_25 = tpu.memref_squeeze %dma_wait3A_24 : memref<1x32768xf32, #tpu.memory_space<hbm>> -> memref<32768xf32, #tpu.memory_space<hbm>>
    tpu.wait_dma2 semaphore(%arg7 : memref<!tpu.dma_semaphore, #tpu.memory_space<semaphore_mem>>) src(%dma_wait3A_25 : memref<32768xf32, #tpu.memory_space<hbm>>) dst(%arg4 : memref<32768xf32, #tpu.memory_space<vmem>>)
    %broadcast_in_dim3A_26 = arith.constant 0xFF800000 : f32
    %broadcast_in_dim3A_27 = vector.broadcast %broadcast_in_dim3A_26 : f32 to vector<16xf32>
    %broadcast_in_dim3A_28 = arith.constant 0 : i32
    %broadcast_in_dim3A_29 = vector.broadcast %broadcast_in_dim3A_28 : i32 to vector<16xi32>
    %scan3A = arith.constant 0 : i32
    %scan3A_30 = arith.constant 256 : i32
    %scan3A_31 = arith.addi %scan3A, %scan3A_30 : i32
    %scan3A_32 = arith.constant 1 : i32
    %scan3A_33:2 = scf.for %scan3A_209 = %scan3A to %scan3A_31 step %scan3A_32 iter_args(%scan3A_210 = %broadcast_in_dim3A_27, %scan3A_211 = %broadcast_in_dim3A_29) -> (vector<16xf32>, vector<16xi32>)  : i32 {
      %mul3A_212 = arith.constant 8 : i32
      %mul3A_213 = arith.muli %scan3A_209, %mul3A_212 : i32
      %add3A_214 = arith.constant 0 : i32
      %add3A_215 = arith.addi %mul3A_213, %add3A_214 : i32
      %mul3A_216 = arith.constant 16 : i32
      %mul3A_217 = arith.muli %add3A_215, %mul3A_216 : i32
      %get3A = arith.index_cast %mul3A_217 : i32 to index
      %get3A_218 = tpu.vector_load %arg4[%get3A] {strides = array<i32>} : memref<32768xf32, #tpu.memory_space<vmem>>, vector<16xf32>,
      %gt3A = arith.cmpf ogt, %get3A_218, %scan3A_210 : vector<16xf32>
      %max3A = arith.maximumf %get3A_218, %scan3A_210 : vector<16xf32>
      %broadcast_in_dim3A_219 = vector.broadcast %add3A_215 : i32 to vector<16xi32>
      %select_n3A_220 = arith.select %gt3A, %broadcast_in_dim3A_219, %scan3A_211 : vector<16xi1>, vector<16xi32>
      %mul3A_221 = arith.constant 8 : i32
      %mul3A_222 = arith.muli %scan3A_209, %mul3A_221 : i32
      %add3A_223 = arith.constant 1 : i32
      %add3A_224 = arith.addi %mul3A_222, %add3A_223 : i32
      %mul3A_225 = arith.constant 16 : i32
      %mul3A_226 = arith.muli %add3A_224, %mul3A_225 : i32
      %get3A_227 = arith.index_cast %mul3A_226 : i32 to index
      %get3A_228 = tpu.vector_load %arg4[%get3A_227] {strides = array<i32>} : memref<32768xf32, #tpu.memory_space<vmem>>, vector<16xf32>,
      %gt3A_229 = arith.cmpf ogt, %get3A_228, %max3A : vector<16xf32>
      %max3A_230 = arith.maximumf %get3A_228, %max3A : vector<16xf32>
      %broadcast_in_dim3A_231 = vector.broadcast %add3A_224 : i32 to vector<16xi32>
      %select_n3A_232 = arith.select %gt3A_229, %broadcast_in_dim3A_231, %select_n3A_220 : vector<16xi1>, vector<16xi32>
      %mul3A_233 = arith.constant 8 : i32
      %mul3A_234 = arith.muli %scan3A_209, %mul3A_233 : i32
      %add3A_235 = arith.constant 2 : i32
      %add3A_236 = arith.addi %mul3A_234, %add3A_235 : i32
      %mul3A_237 = arith.constant 16 : i32
      %mul3A_238 = arith.muli %add3A_236, %mul3A_237 : i32
      %get3A_239 = arith.index_cast %mul3A_238 : i32 to index
      %get3A_240 = tpu.vector_load %arg4[%get3A_239] {strides = array<i32>} : memref<32768xf32, #tpu.memory_space<vmem>>, vector<16xf32>,
      %gt3A_241 = arith.cmpf ogt, %get3A_240, %max3A_230 : vector<16xf32>
      %max3A_242 = arith.maximumf %get3A_240, %max3A_230 : vector<16xf32>
      %broadcast_in_dim3A_243 = vector.broadcast %add3A_236 : i32 to vector<16xi32>
      %select_n3A_244 = arith.select %gt3A_241, %broadcast_in_dim3A_243, %select_n3A_232 : vector<16xi1>, vector<16xi32>
      %mul3A_245 = arith.constant 8 : i32
      %mul3A_246 = arith.muli %scan3A_209, %mul3A_245 : i32
      %add3A_247 = arith.constant 3 : i32
      %add3A_248 = arith.addi %mul3A_246, %add3A_247 : i32
      %mul3A_249 = arith.constant 16 : i32
      %mul3A_250 = arith.muli %add3A_248, %mul3A_249 : i32
      %get3A_251 = arith.index_cast %mul3A_250 : i32 to index
      %get3A_252 = tpu.vector_load %arg4[%get3A_251] {strides = array<i32>} : memref<32768xf32, #tpu.memory_space<vmem>>, vector<16xf32>,
      %gt3A_253 = arith.cmpf ogt, %get3A_252, %max3A_242 : vector<16xf32>
      %max3A_254 = arith.maximumf %get3A_252, %max3A_242 : vector<16xf32>
      %broadcast_in_dim3A_255 = vector.broadcast %add3A_248 : i32 to vector<16xi32>
      %select_n3A_256 = arith.select %gt3A_253, %broadcast_in_dim3A_255, %select_n3A_244 : vector<16xi1>, vector<16xi32>
      %mul3A_257 = arith.constant 8 : i32
      %mul3A_258 = arith.muli %scan3A_209, %mul3A_257 : i32
      %add3A_259 = arith.constant 4 : i32
      %add3A_260 = arith.addi %mul3A_258, %add3A_259 : i32
      %mul3A_261 = arith.constant 16 : i32
      %mul3A_262 = arith.muli %add3A_260, %mul3A_261 : i32
      %get3A_263 = arith.index_cast %mul3A_262 : i32 to index
      %get3A_264 = tpu.vector_load %arg4[%get3A_263] {strides = array<i32>} : memref<32768xf32, #tpu.memory_space<vmem>>, vector<16xf32>,
      %gt3A_265 = arith.cmpf ogt, %get3A_264, %max3A_254 : vector<16xf32>
      %max3A_266 = arith.maximumf %get3A_264, %max3A_254 : vector<16xf32>
      %broadcast_in_dim3A_267 = vector.broadcast %add3A_260 : i32 to vector<16xi32>
      %select_n3A_268 = arith.select %gt3A_265, %broadcast_in_dim3A_267, %select_n3A_256 : vector<16xi1>, vector<16xi32>
      %mul3A_269 = arith.constant 8 : i32
      %mul3A_270 = arith.muli %scan3A_209, %mul3A_269 : i32
      %add3A_271 = arith.constant 5 : i32
      %add3A_272 = arith.addi %mul3A_270, %add3A_271 : i32
      %mul3A_273 = arith.constant 16 : i32
      %mul3A_274 = arith.muli %add3A_272, %mul3A_273 : i32
      %get3A_275 = arith.index_cast %mul3A_274 : i32 to index
      %get3A_276 = tpu.vector_load %arg4[%get3A_275] {strides = array<i32>} : memref<32768xf32, #tpu.memory_space<vmem>>, vector<16xf32>,
      %gt3A_277 = arith.cmpf ogt, %get3A_276, %max3A_266 : vector<16xf32>
      %max3A_278 = arith.maximumf %get3A_276, %max3A_266 : vector<16xf32>
      %broadcast_in_dim3A_279 = vector.broadcast %add3A_272 : i32 to vector<16xi32>
      %select_n3A_280 = arith.select %gt3A_277, %broadcast_in_dim3A_279, %select_n3A_268 : vector<16xi1>, vector<16xi32>
      %mul3A_281 = arith.constant 8 : i32
      %mul3A_282 = arith.muli %scan3A_209, %mul3A_281 : i32
      %add3A_283 = arith.constant 6 : i32
      %add3A_284 = arith.addi %mul3A_282, %add3A_283 : i32
      %mul3A_285 = arith.constant 16 : i32
      %mul3A_286 = arith.muli %add3A_284, %mul3A_285 : i32
      %get3A_287 = arith.index_cast %mul3A_286 : i32 to index
      %get3A_288 = tpu.vector_load %arg4[%get3A_287] {strides = array<i32>} : memref<32768xf32, #tpu.memory_space<vmem>>, vector<16xf32>,
      %gt3A_289 = arith.cmpf ogt, %get3A_288, %max3A_278 : vector<16xf32>
      %max3A_290 = arith.maximumf %get3A_288, %max3A_278 : vector<16xf32>
      %broadcast_in_dim3A_291 = vector.broadcast %add3A_284 : i32 to vector<16xi32>
      %select_n3A_292 = arith.select %gt3A_289, %broadcast_in_dim3A_291, %select_n3A_280 : vector<16xi1>, vector<16xi32>
      %mul3A_293 = arith.constant 8 : i32
      %mul3A_294 = arith.muli %scan3A_209, %mul3A_293 : i32
      %add3A_295 = arith.constant 7 : i32
      %add3A_296 = arith.addi %mul3A_294, %add3A_295 : i32
      %mul3A_297 = arith.constant 16 : i32
      %mul3A_298 = arith.muli %add3A_296, %mul3A_297 : i32
      %get3A_299 = arith.index_cast %mul3A_298 : i32 to index
      %get3A_300 = tpu.vector_load %arg4[%get3A_299] {strides = array<i32>} : memref<32768xf32, #tpu.memory_space<vmem>>, vector<16xf32>,
      %gt3A_301 = arith.cmpf ogt, %get3A_300, %max3A_290 : vector<16xf32>
      %max3A_302 = arith.maximumf %get3A_300, %max3A_290 : vector<16xf32>
      %broadcast_in_dim3A_303 = vector.broadcast %add3A_296 : i32 to vector<16xi32>
      %select_n3A_304 = arith.select %gt3A_301, %broadcast_in_dim3A_303, %select_n3A_292 : vector<16xi1>, vector<16xi32>
      scf.yield %max3A_302, %select_n3A_304 : vector<16xf32>, vector<16xi32>
    }
    %scan3A_34 = arith.constant 256 : i32
    %reduce_max3A = arith.constant true
    %reduce_max3A_35 = vector.broadcast %reduce_max3A : i1 to vector<16xi1>
    %reduce_max3A_36 = tpu.scan <max>, %scan3A_33#0 masked %reduce_max3A_35 : vector<16xf32>, vector<16xi1> -> vector<16xf32>
    %reduce_max3A_37 = vector.extract %reduce_max3A_36[15] : f32 from vector<16xf32>
    %mul3A_38 = arith.constant 16 : i32
    %mul3A_39 = vector.broadcast %mul3A_38 : i32 to vector<16xi32>
    %mul3A_40 = arith.muli %scan3A_33#1, %mul3A_39 : vector<16xi32>
    %add3A_41 = arith.addi %mul3A_40, %iota3A : vector<16xi32>
    %eq3A = vector.broadcast %reduce_max3A_37 : f32 to vector<16xf32>
    %eq3A_42 = arith.cmpf oeq, %scan3A_33#0, %eq3A : vector<16xf32>
    %jit3A = arith.constant 2147483647 : i32
    %broadcast_in_dim3A_43 = vector.broadcast %jit3A : i32 to vector<16xi32>
    %select_n3A = arith.select %eq3A_42, %add3A_41, %broadcast_in_dim3A_43 : vector<16xi1>, vector<16xi32>
    %reduce_min3A = arith.constant true
    %reduce_min3A_44 = vector.broadcast %reduce_min3A : i1 to vector<16xi1>
    %reduce_min3A_45 = arith.constant -2147483648 : i32
    %reduce_min3A_46 = vector.broadcast %reduce_min3A_45 : i32 to vector<16xi32>
    %reduce_min3A_47 = arith.xori %select_n3A, %reduce_min3A_46 : vector<16xi32>
    %reduce_min3A_48 = tpu.scan <min>, %reduce_min3A_47 masked %reduce_min3A_44 : vector<16xi32>, vector<16xi1> -> vector<16xi32>
    %reduce_min3A_49 = arith.xori %reduce_min3A_48, %reduce_min3A_46 : vector<16xi32>
    %reduce_min3A_50 = vector.extract %reduce_min3A_49[15] : i32 from vector<16xi32>
    %eq3A_51 = arith.constant 0 : i32
    %eq3A_52 = vector.broadcast %eq3A_51 : i32 to vector<16xi32>
    %eq3A_53 = arith.cmpi eq, %iota3A, %eq3A_52 : vector<16xi32>
    %broadcast_in_dim3A_54 = vector.broadcast %reduce_min3A_50 : i32 to vector<16xi32>
    %select_n3A_55 = arith.select %eq3A_53, %broadcast_in_dim3A_54, %broadcast_in_dim3A_8 : vector<16xi1>, vector<16xi32>
    %add3A_56 = arith.constant 1 : i32
    %add3A_57 = arith.addi %mul3A_2, %add3A_56 : i32
    %add3A_58 = arith.constant 1 : i32
    %add3A_59 = arith.addi %add3A_57, %add3A_58 : i32
    %dma_start3A_60 = arith.constant 0 : i32
    %dma_start3A_61 = tpu.memref_slice %arg2[%add3A_59, %dma_start3A_60] : memref<128x32768xf32, #tpu.memory_space<hbm>> -> memref<1x32768xf32, #tpu.memory_space<hbm>>
    %dma_start3A_62 = tpu.memref_squeeze %dma_start3A_61 : memref<1x32768xf32, #tpu.memory_space<hbm>> -> memref<32768xf32, #tpu.memory_space<hbm>>
    %dma_start3A_63 = arith.constant 0 : i32
    %dma_start3A_64 = tpu.memref_slice %arg2[%add3A_59, %dma_start3A_63] : memref<128x32768xf32, #tpu.memory_space<hbm>> -> memref<1x32768xf32, #tpu.memory_space<hbm>>
    %dma_start3A_65 = tpu.memref_squeeze %dma_start3A_64 : memref<1x32768xf32, #tpu.memory_space<hbm>> -> memref<32768xf32, #tpu.memory_space<hbm>>
    tpu.enqueue_dma source(%dma_start3A_65 : memref<32768xf32, #tpu.memory_space<hbm>>) target(%arg4 : memref<32768xf32, #tpu.memory_space<vmem>>) target_semaphore(%arg7 : memref<!tpu.dma_semaphore, #tpu.memory_space<semaphore_mem>>)
    %add3A_66 = arith.constant 1 : i32
    %add3A_67 = arith.addi %mul3A_2, %add3A_66 : i32
    %dma_wait3A_68 = arith.constant 0 : i32
    %dma_wait3A_69 = tpu.memref_slice %arg2[%add3A_67, %dma_wait3A_68] : memref<128x32768xf32, #tpu.memory_space<hbm>> -> memref<1x32768xf32, #tpu.memory_space<hbm>>
    %dma_wait3A_70 = tpu.memref_squeeze %dma_wait3A_69 : memref<1x32768xf32, #tpu.memory_space<hbm>> -> memref<32768xf32, #tpu.memory_space<hbm>>
    %dma_wait3A_71 = arith.constant 0 : i32
    %dma_wait3A_72 = tpu.memref_slice %arg2[%add3A_67, %dma_wait3A_71] : memref<128x32768xf32, #tpu.memory_space<hbm>> -> memref<1x32768xf32, #tpu.memory_space<hbm>>
    %dma_wait3A_73 = tpu.memref_squeeze %dma_wait3A_72 : memref<1x32768xf32, #tpu.memory_space<hbm>> -> memref<32768xf32, #tpu.memory_space<hbm>>
    tpu.wait_dma2 semaphore(%arg8 : memref<!tpu.dma_semaphore, #tpu.memory_space<semaphore_mem>>) src(%dma_wait3A_73 : memref<32768xf32, #tpu.memory_space<hbm>>) dst(%arg5 : memref<32768xf32, #tpu.memory_space<vmem>>)
    %broadcast_in_dim3A_74 = arith.constant 0xFF800000 : f32
    %broadcast_in_dim3A_75 = vector.broadcast %broadcast_in_dim3A_74 : f32 to vector<16xf32>
    %broadcast_in_dim3A_76 = arith.constant 0 : i32
    %broadcast_in_dim3A_77 = vector.broadcast %broadcast_in_dim3A_76 : i32 to vector<16xi32>
    %scan3A_78 = arith.constant 0 : i32
    %scan3A_79 = arith.constant 256 : i32
    %scan3A_80 = arith.addi %scan3A_78, %scan3A_79 : i32
    %scan3A_81 = arith.constant 1 : i32
    %scan3A_82:2 = scf.for %scan3A_209 = %scan3A_78 to %scan3A_80 step %scan3A_81 iter_args(%scan3A_210 = %broadcast_in_dim3A_75, %scan3A_211 = %broadcast_in_dim3A_77) -> (vector<16xf32>, vector<16xi32>)  : i32 {
      %mul3A_212 = arith.constant 8 : i32
      %mul3A_213 = arith.muli %scan3A_209, %mul3A_212 : i32
      %add3A_214 = arith.constant 0 : i32
      %add3A_215 = arith.addi %mul3A_213, %add3A_214 : i32
      %mul3A_216 = arith.constant 16 : i32
      %mul3A_217 = arith.muli %add3A_215, %mul3A_216 : i32
      %get3A = arith.index_cast %mul3A_217 : i32 to index
      %get3A_218 = tpu.vector_load %arg5[%get3A] {strides = array<i32>} : memref<32768xf32, #tpu.memory_space<vmem>>, vector<16xf32>,
      %gt3A = arith.cmpf ogt, %get3A_218, %scan3A_210 : vector<16xf32>
      %max3A = arith.maximumf %get3A_218, %scan3A_210 : vector<16xf32>
      %broadcast_in_dim3A_219 = vector.broadcast %add3A_215 : i32 to vector<16xi32>
      %select_n3A_220 = arith.select %gt3A, %broadcast_in_dim3A_219, %scan3A_211 : vector<16xi1>, vector<16xi32>
      %mul3A_221 = arith.constant 8 : i32
      %mul3A_222 = arith.muli %scan3A_209, %mul3A_221 : i32
      %add3A_223 = arith.constant 1 : i32
      %add3A_224 = arith.addi %mul3A_222, %add3A_223 : i32
      %mul3A_225 = arith.constant 16 : i32
      %mul3A_226 = arith.muli %add3A_224, %mul3A_225 : i32
      %get3A_227 = arith.index_cast %mul3A_226 : i32 to index
      %get3A_228 = tpu.vector_load %arg5[%get3A_227] {strides = array<i32>} : memref<32768xf32, #tpu.memory_space<vmem>>, vector<16xf32>,
      %gt3A_229 = arith.cmpf ogt, %get3A_228, %max3A : vector<16xf32>
      %max3A_230 = arith.maximumf %get3A_228, %max3A : vector<16xf32>
      %broadcast_in_dim3A_231 = vector.broadcast %add3A_224 : i32 to vector<16xi32>
      %select_n3A_232 = arith.select %gt3A_229, %broadcast_in_dim3A_231, %select_n3A_220 : vector<16xi1>, vector<16xi32>
      %mul3A_233 = arith.constant 8 : i32
      %mul3A_234 = arith.muli %scan3A_209, %mul3A_233 : i32
      %add3A_235 = arith.constant 2 : i32
      %add3A_236 = arith.addi %mul3A_234, %add3A_235 : i32
      %mul3A_237 = arith.constant 16 : i32
      %mul3A_238 = arith.muli %add3A_236, %mul3A_237 : i32
      %get3A_239 = arith.index_cast %mul3A_238 : i32 to index
      %get3A_240 = tpu.vector_load %arg5[%get3A_239] {strides = array<i32>} : memref<32768xf32, #tpu.memory_space<vmem>>, vector<16xf32>,
      %gt3A_241 = arith.cmpf ogt, %get3A_240, %max3A_230 : vector<16xf32>
      %max3A_242 = arith.maximumf %get3A_240, %max3A_230 : vector<16xf32>
      %broadcast_in_dim3A_243 = vector.broadcast %add3A_236 : i32 to vector<16xi32>
      %select_n3A_244 = arith.select %gt3A_241, %broadcast_in_dim3A_243, %select_n3A_232 : vector<16xi1>, vector<16xi32>
      %mul3A_245 = arith.constant 8 : i32
      %mul3A_246 = arith.muli %scan3A_209, %mul3A_245 : i32
      %add3A_247 = arith.constant 3 : i32
      %add3A_248 = arith.addi %mul3A_246, %add3A_247 : i32
      %mul3A_249 = arith.constant 16 : i32
      %mul3A_250 = arith.muli %add3A_248, %mul3A_249 : i32
      %get3A_251 = arith.index_cast %mul3A_250 : i32 to index
      %get3A_252 = tpu.vector_load %arg5[%get3A_251] {strides = array<i32>} : memref<32768xf32, #tpu.memory_space<vmem>>, vector<16xf32>,
      %gt3A_253 = arith.cmpf ogt, %get3A_252, %max3A_242 : vector<16xf32>
      %max3A_254 = arith.maximumf %get3A_252, %max3A_242 : vector<16xf32>
      %broadcast_in_dim3A_255 = vector.broadcast %add3A_248 : i32 to vector<16xi32>
      %select_n3A_256 = arith.select %gt3A_253, %broadcast_in_dim3A_255, %select_n3A_244 : vector<16xi1>, vector<16xi32>
      %mul3A_257 = arith.constant 8 : i32
      %mul3A_258 = arith.muli %scan3A_209, %mul3A_257 : i32
      %add3A_259 = arith.constant 4 : i32
      %add3A_260 = arith.addi %mul3A_258, %add3A_259 : i32
      %mul3A_261 = arith.constant 16 : i32
      %mul3A_262 = arith.muli %add3A_260, %mul3A_261 : i32
      %get3A_263 = arith.index_cast %mul3A_262 : i32 to index
      %get3A_264 = tpu.vector_load %arg5[%get3A_263] {strides = array<i32>} : memref<32768xf32, #tpu.memory_space<vmem>>, vector<16xf32>,
      %gt3A_265 = arith.cmpf ogt, %get3A_264, %max3A_254 : vector<16xf32>
      %max3A_266 = arith.maximumf %get3A_264, %max3A_254 : vector<16xf32>
      %broadcast_in_dim3A_267 = vector.broadcast %add3A_260 : i32 to vector<16xi32>
      %select_n3A_268 = arith.select %gt3A_265, %broadcast_in_dim3A_267, %select_n3A_256 : vector<16xi1>, vector<16xi32>
      %mul3A_269 = arith.constant 8 : i32
      %mul3A_270 = arith.muli %scan3A_209, %mul3A_269 : i32
      %add3A_271 = arith.constant 5 : i32
      %add3A_272 = arith.addi %mul3A_270, %add3A_271 : i32
      %mul3A_273 = arith.constant 16 : i32
      %mul3A_274 = arith.muli %add3A_272, %mul3A_273 : i32
      %get3A_275 = arith.index_cast %mul3A_274 : i32 to index
      %get3A_276 = tpu.vector_load %arg5[%get3A_275] {strides = array<i32>} : memref<32768xf32, #tpu.memory_space<vmem>>, vector<16xf32>,
      %gt3A_277 = arith.cmpf ogt, %get3A_276, %max3A_266 : vector<16xf32>
      %max3A_278 = arith.maximumf %get3A_276, %max3A_266 : vector<16xf32>
      %broadcast_in_dim3A_279 = vector.broadcast %add3A_272 : i32 to vector<16xi32>
      %select_n3A_280 = arith.select %gt3A_277, %broadcast_in_dim3A_279, %select_n3A_268 : vector<16xi1>, vector<16xi32>
      %mul3A_281 = arith.constant 8 : i32
      %mul3A_282 = arith.muli %scan3A_209, %mul3A_281 : i32
      %add3A_283 = arith.constant 6 : i32
      %add3A_284 = arith.addi %mul3A_282, %add3A_283 : i32
      %mul3A_285 = arith.constant 16 : i32
      %mul3A_286 = arith.muli %add3A_284, %mul3A_285 : i32
      %get3A_287 = arith.index_cast %mul3A_286 : i32 to index
      %get3A_288 = tpu.vector_load %arg5[%get3A_287] {strides = array<i32>} : memref<32768xf32, #tpu.memory_space<vmem>>, vector<16xf32>,
      %gt3A_289 = arith.cmpf ogt, %get3A_288, %max3A_278 : vector<16xf32>
      %max3A_290 = arith.maximumf %get3A_288, %max3A_278 : vector<16xf32>
      %broadcast_in_dim3A_291 = vector.broadcast %add3A_284 : i32 to vector<16xi32>
      %select_n3A_292 = arith.select %gt3A_289, %broadcast_in_dim3A_291, %select_n3A_280 : vector<16xi1>, vector<16xi32>
      %mul3A_293 = arith.constant 8 : i32
      %mul3A_294 = arith.muli %scan3A_209, %mul3A_293 : i32
      %add3A_295 = arith.constant 7 : i32
      %add3A_296 = arith.addi %mul3A_294, %add3A_295 : i32
      %mul3A_297 = arith.constant 16 : i32
      %mul3A_298 = arith.muli %add3A_296, %mul3A_297 : i32
      %get3A_299 = arith.index_cast %mul3A_298 : i32 to index
      %get3A_300 = tpu.vector_load %arg5[%get3A_299] {strides = array<i32>} : memref<32768xf32, #tpu.memory_space<vmem>>, vector<16xf32>,
      %gt3A_301 = arith.cmpf ogt, %get3A_300, %max3A_290 : vector<16xf32>
      %max3A_302 = arith.maximumf %get3A_300, %max3A_290 : vector<16xf32>
      %broadcast_in_dim3A_303 = vector.broadcast %add3A_296 : i32 to vector<16xi32>
      %select_n3A_304 = arith.select %gt3A_301, %broadcast_in_dim3A_303, %select_n3A_292 : vector<16xi1>, vector<16xi32>
      scf.yield %max3A_302, %select_n3A_304 : vector<16xf32>, vector<16xi32>
    }
    %scan3A_83 = arith.constant 256 : i32
    %reduce_max3A_84 = arith.constant true
    %reduce_max3A_85 = vector.broadcast %reduce_max3A_84 : i1 to vector<16xi1>
    %reduce_max3A_86 = tpu.scan <max>, %scan3A_82#0 masked %reduce_max3A_85 : vector<16xf32>, vector<16xi1> -> vector<16xf32>
    %reduce_max3A_87 = vector.extract %reduce_max3A_86[15] : f32 from vector<16xf32>
    %mul3A_88 = arith.constant 16 : i32
    %mul3A_89 = vector.broadcast %mul3A_88 : i32 to vector<16xi32>
    %mul3A_90 = arith.muli %scan3A_82#1, %mul3A_89 : vector<16xi32>
    %add3A_91 = arith.addi %mul3A_90, %iota3A : vector<16xi32>
    %eq3A_92 = vector.broadcast %reduce_max3A_87 : f32 to vector<16xf32>
    %eq3A_93 = arith.cmpf oeq, %scan3A_82#0, %eq3A_92 : vector<16xf32>
    %jit3A_94 = arith.constant 2147483647 : i32
    %broadcast_in_dim3A_95 = vector.broadcast %jit3A_94 : i32 to vector<16xi32>
    %select_n3A_96 = arith.select %eq3A_93, %add3A_91, %broadcast_in_dim3A_95 : vector<16xi1>, vector<16xi32>
    %reduce_min3A_97 = arith.constant true
    %reduce_min3A_98 = vector.broadcast %reduce_min3A_97 : i1 to vector<16xi1>
    %reduce_min3A_99 = arith.constant -2147483648 : i32
    %reduce_min3A_100 = vector.broadcast %reduce_min3A_99 : i32 to vector<16xi32>
    %reduce_min3A_101 = arith.xori %select_n3A_96, %reduce_min3A_100 : vector<16xi32>
    %reduce_min3A_102 = tpu.scan <min>, %reduce_min3A_101 masked %reduce_min3A_98 : vector<16xi32>, vector<16xi1> -> vector<16xi32>
    %reduce_min3A_103 = arith.xori %reduce_min3A_102, %reduce_min3A_100 : vector<16xi32>
    %reduce_min3A_104 = vector.extract %reduce_min3A_103[15] : i32 from vector<16xi32>
    %eq3A_105 = arith.constant 1 : i32
    %eq3A_106 = vector.broadcast %eq3A_105 : i32 to vector<16xi32>
    %eq3A_107 = arith.cmpi eq, %iota3A, %eq3A_106 : vector<16xi32>
    %broadcast_in_dim3A_108 = vector.broadcast %reduce_min3A_104 : i32 to vector<16xi32>
    %select_n3A_109 = arith.select %eq3A_107, %broadcast_in_dim3A_108, %select_n3A_55 : vector<16xi1>, vector<16xi32>
    %add3A_110 = arith.constant 2 : i32
    %add3A_111 = arith.addi %mul3A_2, %add3A_110 : i32
    %add3A_112 = arith.constant 1 : i32
    %add3A_113 = arith.addi %add3A_111, %add3A_112 : i32
    %dma_start3A_114 = arith.constant 0 : i32
    %dma_start3A_115 = tpu.memref_slice %arg2[%add3A_113, %dma_start3A_114] : memref<128x32768xf32, #tpu.memory_space<hbm>> -> memref<1x32768xf32, #tpu.memory_space<hbm>>
    %dma_start3A_116 = tpu.memref_squeeze %dma_start3A_115 : memref<1x32768xf32, #tpu.memory_space<hbm>> -> memref<32768xf32, #tpu.memory_space<hbm>>
    %dma_start3A_117 = arith.constant 0 : i32
    %dma_start3A_118 = tpu.memref_slice %arg2[%add3A_113, %dma_start3A_117] : memref<128x32768xf32, #tpu.memory_space<hbm>> -> memref<1x32768xf32, #tpu.memory_space<hbm>>
    %dma_start3A_119 = tpu.memref_squeeze %dma_start3A_118 : memref<1x32768xf32, #tpu.memory_space<hbm>> -> memref<32768xf32, #tpu.memory_space<hbm>>
    tpu.enqueue_dma source(%dma_start3A_119 : memref<32768xf32, #tpu.memory_space<hbm>>) target(%arg5 : memref<32768xf32, #tpu.memory_space<vmem>>) target_semaphore(%arg8 : memref<!tpu.dma_semaphore, #tpu.memory_space<semaphore_mem>>)
    %add3A_120 = arith.constant 2 : i32
    %add3A_121 = arith.addi %mul3A_2, %add3A_120 : i32
    %dma_wait3A_122 = arith.constant 0 : i32
    %dma_wait3A_123 = tpu.memref_slice %arg2[%add3A_121, %dma_wait3A_122] : memref<128x32768xf32, #tpu.memory_space<hbm>> -> memref<1x32768xf32, #tpu.memory_space<hbm>>
    %dma_wait3A_124 = tpu.memref_squeeze %dma_wait3A_123 : memref<1x32768xf32, #tpu.memory_space<hbm>> -> memref<32768xf32, #tpu.memory_space<hbm>>
    %dma_wait3A_125 = arith.constant 0 : i32
    %dma_wait3A_126 = tpu.memref_slice %arg2[%add3A_121, %dma_wait3A_125] : memref<128x32768xf32, #tpu.memory_space<hbm>> -> memref<1x32768xf32, #tpu.memory_space<hbm>>
    %dma_wait3A_127 = tpu.memref_squeeze %dma_wait3A_126 : memref<1x32768xf32, #tpu.memory_space<hbm>> -> memref<32768xf32, #tpu.memory_space<hbm>>
    tpu.wait_dma2 semaphore(%arg7 : memref<!tpu.dma_semaphore, #tpu.memory_space<semaphore_mem>>) src(%dma_wait3A_127 : memref<32768xf32, #tpu.memory_space<hbm>>) dst(%arg4 : memref<32768xf32, #tpu.memory_space<vmem>>)
    %broadcast_in_dim3A_128 = arith.constant 0xFF800000 : f32
    %broadcast_in_dim3A_129 = vector.broadcast %broadcast_in_dim3A_128 : f32 to vector<16xf32>
    %broadcast_in_dim3A_130 = arith.constant 0 : i32
    %broadcast_in_dim3A_131 = vector.broadcast %broadcast_in_dim3A_130 : i32 to vector<16xi32>
    %scan3A_132 = arith.constant 0 : i32
    %scan3A_133 = arith.constant 256 : i32
    %scan3A_134 = arith.addi %scan3A_132, %scan3A_133 : i32
    %scan3A_135 = arith.constant 1 : i32
    %scan3A_136:2 = scf.for %scan3A_209 = %scan3A_132 to %scan3A_134 step %scan3A_135 iter_args(%scan3A_210 = %broadcast_in_dim3A_129, %scan3A_211 = %broadcast_in_dim3A_131) -> (vector<16xf32>, vector<16xi32>)  : i32 {
      %mul3A_212 = arith.constant 8 : i32
      %mul3A_213 = arith.muli %scan3A_209, %mul3A_212 : i32
      %add3A_214 = arith.constant 0 : i32
      %add3A_215 = arith.addi %mul3A_213, %add3A_214 : i32
      %mul3A_216 = arith.constant 16 : i32
      %mul3A_217 = arith.muli %add3A_215, %mul3A_216 : i32
      %get3A = arith.index_cast %mul3A_217 : i32 to index
      %get3A_218 = tpu.vector_load %arg4[%get3A] {strides = array<i32>} : memref<32768xf32, #tpu.memory_space<vmem>>, vector<16xf32>,
      %gt3A = arith.cmpf ogt, %get3A_218, %scan3A_210 : vector<16xf32>
      %max3A = arith.maximumf %get3A_218, %scan3A_210 : vector<16xf32>
      %broadcast_in_dim3A_219 = vector.broadcast %add3A_215 : i32 to vector<16xi32>
      %select_n3A_220 = arith.select %gt3A, %broadcast_in_dim3A_219, %scan3A_211 : vector<16xi1>, vector<16xi32>
      %mul3A_221 = arith.constant 8 : i32
      %mul3A_222 = arith.muli %scan3A_209, %mul3A_221 : i32
      %add3A_223 = arith.constant 1 : i32
      %add3A_224 = arith.addi %mul3A_222, %add3A_223 : i32
      %mul3A_225 = arith.constant 16 : i32
      %mul3A_226 = arith.muli %add3A_224, %mul3A_225 : i32
      %get3A_227 = arith.index_cast %mul3A_226 : i32 to index
      %get3A_228 = tpu.vector_load %arg4[%get3A_227] {strides = array<i32>} : memref<32768xf32, #tpu.memory_space<vmem>>, vector<16xf32>,
      %gt3A_229 = arith.cmpf ogt, %get3A_228, %max3A : vector<16xf32>
      %max3A_230 = arith.maximumf %get3A_228, %max3A : vector<16xf32>
      %broadcast_in_dim3A_231 = vector.broadcast %add3A_224 : i32 to vector<16xi32>
      %select_n3A_232 = arith.select %gt3A_229, %broadcast_in_dim3A_231, %select_n3A_220 : vector<16xi1>, vector<16xi32>
      %mul3A_233 = arith.constant 8 : i32
      %mul3A_234 = arith.muli %scan3A_209, %mul3A_233 : i32
      %add3A_235 = arith.constant 2 : i32
      %add3A_236 = arith.addi %mul3A_234, %add3A_235 : i32
      %mul3A_237 = arith.constant 16 : i32
      %mul3A_238 = arith.muli %add3A_236, %mul3A_237 : i32
      %get3A_239 = arith.index_cast %mul3A_238 : i32 to index
      %get3A_240 = tpu.vector_load %arg4[%get3A_239] {strides = array<i32>} : memref<32768xf32, #tpu.memory_space<vmem>>, vector<16xf32>,
      %gt3A_241 = arith.cmpf ogt, %get3A_240, %max3A_230 : vector<16xf32>
      %max3A_242 = arith.maximumf %get3A_240, %max3A_230 : vector<16xf32>
      %broadcast_in_dim3A_243 = vector.broadcast %add3A_236 : i32 to vector<16xi32>
      %select_n3A_244 = arith.select %gt3A_241, %broadcast_in_dim3A_243, %select_n3A_232 : vector<16xi1>, vector<16xi32>
      %mul3A_245 = arith.constant 8 : i32
      %mul3A_246 = arith.muli %scan3A_209, %mul3A_245 : i32
      %add3A_247 = arith.constant 3 : i32
      %add3A_248 = arith.addi %mul3A_246, %add3A_247 : i32
      %mul3A_249 = arith.constant 16 : i32
      %mul3A_250 = arith.muli %add3A_248, %mul3A_249 : i32
      %get3A_251 = arith.index_cast %mul3A_250 : i32 to index
      %get3A_252 = tpu.vector_load %arg4[%get3A_251] {strides = array<i32>} : memref<32768xf32, #tpu.memory_space<vmem>>, vector<16xf32>,
      %gt3A_253 = arith.cmpf ogt, %get3A_252, %max3A_242 : vector<16xf32>
      %max3A_254 = arith.maximumf %get3A_252, %max3A_242 : vector<16xf32>
      %broadcast_in_dim3A_255 = vector.broadcast %add3A_248 : i32 to vector<16xi32>
      %select_n3A_256 = arith.select %gt3A_253, %broadcast_in_dim3A_255, %select_n3A_244 : vector<16xi1>, vector<16xi32>
      %mul3A_257 = arith.constant 8 : i32
      %mul3A_258 = arith.muli %scan3A_209, %mul3A_257 : i32
      %add3A_259 = arith.constant 4 : i32
      %add3A_260 = arith.addi %mul3A_258, %add3A_259 : i32
      %mul3A_261 = arith.constant 16 : i32
      %mul3A_262 = arith.muli %add3A_260, %mul3A_261 : i32
      %get3A_263 = arith.index_cast %mul3A_262 : i32 to index
      %get3A_264 = tpu.vector_load %arg4[%get3A_263] {strides = array<i32>} : memref<32768xf32, #tpu.memory_space<vmem>>, vector<16xf32>,
      %gt3A_265 = arith.cmpf ogt, %get3A_264, %max3A_254 : vector<16xf32>
      %max3A_266 = arith.maximumf %get3A_264, %max3A_254 : vector<16xf32>
      %broadcast_in_dim3A_267 = vector.broadcast %add3A_260 : i32 to vector<16xi32>
      %select_n3A_268 = arith.select %gt3A_265, %broadcast_in_dim3A_267, %select_n3A_256 : vector<16xi1>, vector<16xi32>
      %mul3A_269 = arith.constant 8 : i32
      %mul3A_270 = arith.muli %scan3A_209, %mul3A_269 : i32
      %add3A_271 = arith.constant 5 : i32
      %add3A_272 = arith.addi %mul3A_270, %add3A_271 : i32
      %mul3A_273 = arith.constant 16 : i32
      %mul3A_274 = arith.muli %add3A_272, %mul3A_273 : i32
      %get3A_275 = arith.index_cast %mul3A_274 : i32 to index
      %get3A_276 = tpu.vector_load %arg4[%get3A_275] {strides = array<i32>} : memref<32768xf32, #tpu.memory_space<vmem>>, vector<16xf32>,
      %gt3A_277 = arith.cmpf ogt, %get3A_276, %max3A_266 : vector<16xf32>
      %max3A_278 = arith.maximumf %get3A_276, %max3A_266 : vector<16xf32>
      %broadcast_in_dim3A_279 = vector.broadcast %add3A_272 : i32 to vector<16xi32>
      %select_n3A_280 = arith.select %gt3A_277, %broadcast_in_dim3A_279, %select_n3A_268 : vector<16xi1>, vector<16xi32>
      %mul3A_281 = arith.constant 8 : i32
      %mul3A_282 = arith.muli %scan3A_209, %mul3A_281 : i32
      %add3A_283 = arith.constant 6 : i32
      %add3A_284 = arith.addi %mul3A_282, %add3A_283 : i32
      %mul3A_285 = arith.constant 16 : i32
      %mul3A_286 = arith.muli %add3A_284, %mul3A_285 : i32
      %get3A_287 = arith.index_cast %mul3A_286 : i32 to index
      %get3A_288 = tpu.vector_load %arg4[%get3A_287] {strides = array<i32>} : memref<32768xf32, #tpu.memory_space<vmem>>, vector<16xf32>,
      %gt3A_289 = arith.cmpf ogt, %get3A_288, %max3A_278 : vector<16xf32>
      %max3A_290 = arith.maximumf %get3A_288, %max3A_278 : vector<16xf32>
      %broadcast_in_dim3A_291 = vector.broadcast %add3A_284 : i32 to vector<16xi32>
      %select_n3A_292 = arith.select %gt3A_289, %broadcast_in_dim3A_291, %select_n3A_280 : vector<16xi1>, vector<16xi32>
      %mul3A_293 = arith.constant 8 : i32
      %mul3A_294 = arith.muli %scan3A_209, %mul3A_293 : i32
      %add3A_295 = arith.constant 7 : i32
      %add3A_296 = arith.addi %mul3A_294, %add3A_295 : i32
      %mul3A_297 = arith.constant 16 : i32
      %mul3A_298 = arith.muli %add3A_296, %mul3A_297 : i32
      %get3A_299 = arith.index_cast %mul3A_298 : i32 to index
      %get3A_300 = tpu.vector_load %arg4[%get3A_299] {strides = array<i32>} : memref<32768xf32, #tpu.memory_space<vmem>>, vector<16xf32>,
      %gt3A_301 = arith.cmpf ogt, %get3A_300, %max3A_290 : vector<16xf32>
      %max3A_302 = arith.maximumf %get3A_300, %max3A_290 : vector<16xf32>
      %broadcast_in_dim3A_303 = vector.broadcast %add3A_296 : i32 to vector<16xi32>
      %select_n3A_304 = arith.select %gt3A_301, %broadcast_in_dim3A_303, %select_n3A_292 : vector<16xi1>, vector<16xi32>
      scf.yield %max3A_302, %select_n3A_304 : vector<16xf32>, vector<16xi32>
    }
    %scan3A_137 = arith.constant 256 : i32
    %reduce_max3A_138 = arith.constant true
    %reduce_max3A_139 = vector.broadcast %reduce_max3A_138 : i1 to vector<16xi1>
    %reduce_max3A_140 = tpu.scan <max>, %scan3A_136#0 masked %reduce_max3A_139 : vector<16xf32>, vector<16xi1> -> vector<16xf32>
    %reduce_max3A_141 = vector.extract %reduce_max3A_140[15] : f32 from vector<16xf32>
    %mul3A_142 = arith.constant 16 : i32
    %mul3A_143 = vector.broadcast %mul3A_142 : i32 to vector<16xi32>
    %mul3A_144 = arith.muli %scan3A_136#1, %mul3A_143 : vector<16xi32>
    %add3A_145 = arith.addi %mul3A_144, %iota3A : vector<16xi32>
    %eq3A_146 = vector.broadcast %reduce_max3A_141 : f32 to vector<16xf32>
    %eq3A_147 = arith.cmpf oeq, %scan3A_136#0, %eq3A_146 : vector<16xf32>
    %jit3A_148 = arith.constant 2147483647 : i32
    %broadcast_in_dim3A_149 = vector.broadcast %jit3A_148 : i32 to vector<16xi32>
    %select_n3A_150 = arith.select %eq3A_147, %add3A_145, %broadcast_in_dim3A_149 : vector<16xi1>, vector<16xi32>
    %reduce_min3A_151 = arith.constant true
    %reduce_min3A_152 = vector.broadcast %reduce_min3A_151 : i1 to vector<16xi1>
    %reduce_min3A_153 = arith.constant -2147483648 : i32
    %reduce_min3A_154 = vector.broadcast %reduce_min3A_153 : i32 to vector<16xi32>
    %reduce_min3A_155 = arith.xori %select_n3A_150, %reduce_min3A_154 : vector<16xi32>
    %reduce_min3A_156 = tpu.scan <min>, %reduce_min3A_155 masked %reduce_min3A_152 : vector<16xi32>, vector<16xi1> -> vector<16xi32>
    %reduce_min3A_157 = arith.xori %reduce_min3A_156, %reduce_min3A_154 : vector<16xi32>
    %reduce_min3A_158 = vector.extract %reduce_min3A_157[15] : i32 from vector<16xi32>
    %eq3A_159 = arith.constant 2 : i32
    %eq3A_160 = vector.broadcast %eq3A_159 : i32 to vector<16xi32>
    %eq3A_161 = arith.cmpi eq, %iota3A, %eq3A_160 : vector<16xi32>
    %broadcast_in_dim3A_162 = vector.broadcast %reduce_min3A_158 : i32 to vector<16xi32>
    %select_n3A_163 = arith.select %eq3A_161, %broadcast_in_dim3A_162, %select_n3A_109 : vector<16xi1>, vector<16xi32>
    %add3A_164 = arith.constant 3 : i32
    %add3A_165 = arith.addi %mul3A_2, %add3A_164 : i32
    %dma_wait3A_166 = arith.constant 0 : i32
    %dma_wait3A_167 = tpu.memref_slice %arg2[%add3A_165, %dma_wait3A_166] : memref<128x32768xf32, #tpu.memory_space<hbm>> -> memref<1x32768xf32, #tpu.memory_space<hbm>>
    %dma_wait3A_168 = tpu.memref_squeeze %dma_wait3A_167 : memref<1x32768xf32, #tpu.memory_space<hbm>> -> memref<32768xf32, #tpu.memory_space<hbm>>
    %dma_wait3A_169 = arith.constant 0 : i32
    %dma_wait3A_170 = tpu.memref_slice %arg2[%add3A_165, %dma_wait3A_169] : memref<128x32768xf32, #tpu.memory_space<hbm>> -> memref<1x32768xf32, #tpu.memory_space<hbm>>
    %dma_wait3A_171 = tpu.memref_squeeze %dma_wait3A_170 : memref<1x32768xf32, #tpu.memory_space<hbm>> -> memref<32768xf32, #tpu.memory_space<hbm>>
    tpu.wait_dma2 semaphore(%arg8 : memref<!tpu.dma_semaphore, #tpu.memory_space<semaphore_mem>>) src(%dma_wait3A_171 : memref<32768xf32, #tpu.memory_space<hbm>>) dst(%arg5 : memref<32768xf32, #tpu.memory_space<vmem>>)
    %broadcast_in_dim3A_172 = arith.constant 0xFF800000 : f32
    %broadcast_in_dim3A_173 = vector.broadcast %broadcast_in_dim3A_172 : f32 to vector<16xf32>
    %broadcast_in_dim3A_174 = arith.constant 0 : i32
    %broadcast_in_dim3A_175 = vector.broadcast %broadcast_in_dim3A_174 : i32 to vector<16xi32>
    %scan3A_176 = arith.constant 0 : i32
    %scan3A_177 = arith.constant 256 : i32
    %scan3A_178 = arith.addi %scan3A_176, %scan3A_177 : i32
    %scan3A_179 = arith.constant 1 : i32
    %scan3A_180:2 = scf.for %scan3A_209 = %scan3A_176 to %scan3A_178 step %scan3A_179 iter_args(%scan3A_210 = %broadcast_in_dim3A_173, %scan3A_211 = %broadcast_in_dim3A_175) -> (vector<16xf32>, vector<16xi32>)  : i32 {
      %mul3A_212 = arith.constant 8 : i32
      %mul3A_213 = arith.muli %scan3A_209, %mul3A_212 : i32
      %add3A_214 = arith.constant 0 : i32
      %add3A_215 = arith.addi %mul3A_213, %add3A_214 : i32
      %mul3A_216 = arith.constant 16 : i32
      %mul3A_217 = arith.muli %add3A_215, %mul3A_216 : i32
      %get3A = arith.index_cast %mul3A_217 : i32 to index
      %get3A_218 = tpu.vector_load %arg5[%get3A] {strides = array<i32>} : memref<32768xf32, #tpu.memory_space<vmem>>, vector<16xf32>,
      %gt3A = arith.cmpf ogt, %get3A_218, %scan3A_210 : vector<16xf32>
      %max3A = arith.maximumf %get3A_218, %scan3A_210 : vector<16xf32>
      %broadcast_in_dim3A_219 = vector.broadcast %add3A_215 : i32 to vector<16xi32>
      %select_n3A_220 = arith.select %gt3A, %broadcast_in_dim3A_219, %scan3A_211 : vector<16xi1>, vector<16xi32>
      %mul3A_221 = arith.constant 8 : i32
      %mul3A_222 = arith.muli %scan3A_209, %mul3A_221 : i32
      %add3A_223 = arith.constant 1 : i32
      %add3A_224 = arith.addi %mul3A_222, %add3A_223 : i32
      %mul3A_225 = arith.constant 16 : i32
      %mul3A_226 = arith.muli %add3A_224, %mul3A_225 : i32
      %get3A_227 = arith.index_cast %mul3A_226 : i32 to index
      %get3A_228 = tpu.vector_load %arg5[%get3A_227] {strides = array<i32>} : memref<32768xf32, #tpu.memory_space<vmem>>, vector<16xf32>,
      %gt3A_229 = arith.cmpf ogt, %get3A_228, %max3A : vector<16xf32>
      %max3A_230 = arith.maximumf %get3A_228, %max3A : vector<16xf32>
      %broadcast_in_dim3A_231 = vector.broadcast %add3A_224 : i32 to vector<16xi32>
      %select_n3A_232 = arith.select %gt3A_229, %broadcast_in_dim3A_231, %select_n3A_220 : vector<16xi1>, vector<16xi32>
      %mul3A_233 = arith.constant 8 : i32
      %mul3A_234 = arith.muli %scan3A_209, %mul3A_233 : i32
      %add3A_235 = arith.constant 2 : i32
      %add3A_236 = arith.addi %mul3A_234, %add3A_235 : i32
      %mul3A_237 = arith.constant 16 : i32
      %mul3A_238 = arith.muli %add3A_236, %mul3A_237 : i32
      %get3A_239 = arith.index_cast %mul3A_238 : i32 to index
      %get3A_240 = tpu.vector_load %arg5[%get3A_239] {strides = array<i32>} : memref<32768xf32, #tpu.memory_space<vmem>>, vector<16xf32>,
      %gt3A_241 = arith.cmpf ogt, %get3A_240, %max3A_230 : vector<16xf32>
      %max3A_242 = arith.maximumf %get3A_240, %max3A_230 : vector<16xf32>
      %broadcast_in_dim3A_243 = vector.broadcast %add3A_236 : i32 to vector<16xi32>
      %select_n3A_244 = arith.select %gt3A_241, %broadcast_in_dim3A_243, %select_n3A_232 : vector<16xi1>, vector<16xi32>
      %mul3A_245 = arith.constant 8 : i32
      %mul3A_246 = arith.muli %scan3A_209, %mul3A_245 : i32
      %add3A_247 = arith.constant 3 : i32
      %add3A_248 = arith.addi %mul3A_246, %add3A_247 : i32
      %mul3A_249 = arith.constant 16 : i32
      %mul3A_250 = arith.muli %add3A_248, %mul3A_249 : i32
      %get3A_251 = arith.index_cast %mul3A_250 : i32 to index
      %get3A_252 = tpu.vector_load %arg5[%get3A_251] {strides = array<i32>} : memref<32768xf32, #tpu.memory_space<vmem>>, vector<16xf32>,
      %gt3A_253 = arith.cmpf ogt, %get3A_252, %max3A_242 : vector<16xf32>
      %max3A_254 = arith.maximumf %get3A_252, %max3A_242 : vector<16xf32>
      %broadcast_in_dim3A_255 = vector.broadcast %add3A_248 : i32 to vector<16xi32>
      %select_n3A_256 = arith.select %gt3A_253, %broadcast_in_dim3A_255, %select_n3A_244 : vector<16xi1>, vector<16xi32>
      %mul3A_257 = arith.constant 8 : i32
      %mul3A_258 = arith.muli %scan3A_209, %mul3A_257 : i32
      %add3A_259 = arith.constant 4 : i32
      %add3A_260 = arith.addi %mul3A_258, %add3A_259 : i32
      %mul3A_261 = arith.constant 16 : i32
      %mul3A_262 = arith.muli %add3A_260, %mul3A_261 : i32
      %get3A_263 = arith.index_cast %mul3A_262 : i32 to index
      %get3A_264 = tpu.vector_load %arg5[%get3A_263] {strides = array<i32>} : memref<32768xf32, #tpu.memory_space<vmem>>, vector<16xf32>,
      %gt3A_265 = arith.cmpf ogt, %get3A_264, %max3A_254 : vector<16xf32>
      %max3A_266 = arith.maximumf %get3A_264, %max3A_254 : vector<16xf32>
      %broadcast_in_dim3A_267 = vector.broadcast %add3A_260 : i32 to vector<16xi32>
      %select_n3A_268 = arith.select %gt3A_265, %broadcast_in_dim3A_267, %select_n3A_256 : vector<16xi1>, vector<16xi32>
      %mul3A_269 = arith.constant 8 : i32
      %mul3A_270 = arith.muli %scan3A_209, %mul3A_269 : i32
      %add3A_271 = arith.constant 5 : i32
      %add3A_272 = arith.addi %mul3A_270, %add3A_271 : i32
      %mul3A_273 = arith.constant 16 : i32
      %mul3A_274 = arith.muli %add3A_272, %mul3A_273 : i32
      %get3A_275 = arith.index_cast %mul3A_274 : i32 to index
      %get3A_276 = tpu.vector_load %arg5[%get3A_275] {strides = array<i32>} : memref<32768xf32, #tpu.memory_space<vmem>>, vector<16xf32>,
      %gt3A_277 = arith.cmpf ogt, %get3A_276, %max3A_266 : vector<16xf32>
      %max3A_278 = arith.maximumf %get3A_276, %max3A_266 : vector<16xf32>
      %broadcast_in_dim3A_279 = vector.broadcast %add3A_272 : i32 to vector<16xi32>
      %select_n3A_280 = arith.select %gt3A_277, %broadcast_in_dim3A_279, %select_n3A_268 : vector<16xi1>, vector<16xi32>
      %mul3A_281 = arith.constant 8 : i32
      %mul3A_282 = arith.muli %scan3A_209, %mul3A_281 : i32
      %add3A_283 = arith.constant 6 : i32
      %add3A_284 = arith.addi %mul3A_282, %add3A_283 : i32
      %mul3A_285 = arith.constant 16 : i32
      %mul3A_286 = arith.muli %add3A_284, %mul3A_285 : i32
      %get3A_287 = arith.index_cast %mul3A_286 : i32 to index
      %get3A_288 = tpu.vector_load %arg5[%get3A_287] {strides = array<i32>} : memref<32768xf32, #tpu.memory_space<vmem>>, vector<16xf32>,
      %gt3A_289 = arith.cmpf ogt, %get3A_288, %max3A_278 : vector<16xf32>
      %max3A_290 = arith.maximumf %get3A_288, %max3A_278 : vector<16xf32>
      %broadcast_in_dim3A_291 = vector.broadcast %add3A_284 : i32 to vector<16xi32>
      %select_n3A_292 = arith.select %gt3A_289, %broadcast_in_dim3A_291, %select_n3A_280 : vector<16xi1>, vector<16xi32>
      %mul3A_293 = arith.constant 8 : i32
      %mul3A_294 = arith.muli %scan3A_209, %mul3A_293 : i32
      %add3A_295 = arith.constant 7 : i32
      %add3A_296 = arith.addi %mul3A_294, %add3A_295 : i32
      %mul3A_297 = arith.constant 16 : i32
      %mul3A_298 = arith.muli %add3A_296, %mul3A_297 : i32
      %get3A_299 = arith.index_cast %mul3A_298 : i32 to index
      %get3A_300 = tpu.vector_load %arg5[%get3A_299] {strides = array<i32>} : memref<32768xf32, #tpu.memory_space<vmem>>, vector<16xf32>,
      %gt3A_301 = arith.cmpf ogt, %get3A_300, %max3A_290 : vector<16xf32>
      %max3A_302 = arith.maximumf %get3A_300, %max3A_290 : vector<16xf32>
      %broadcast_in_dim3A_303 = vector.broadcast %add3A_296 : i32 to vector<16xi32>
      %select_n3A_304 = arith.select %gt3A_301, %broadcast_in_dim3A_303, %select_n3A_292 : vector<16xi1>, vector<16xi32>
      scf.yield %max3A_302, %select_n3A_304 : vector<16xf32>, vector<16xi32>
    }
    %scan3A_181 = arith.constant 256 : i32
    %reduce_max3A_182 = arith.constant true
    %reduce_max3A_183 = vector.broadcast %reduce_max3A_182 : i1 to vector<16xi1>
    %reduce_max3A_184 = tpu.scan <max>, %scan3A_180#0 masked %reduce_max3A_183 : vector<16xf32>, vector<16xi1> -> vector<16xf32>
    %reduce_max3A_185 = vector.extract %reduce_max3A_184[15] : f32 from vector<16xf32>
    %mul3A_186 = arith.constant 16 : i32
    %mul3A_187 = vector.broadcast %mul3A_186 : i32 to vector<16xi32>
    %mul3A_188 = arith.muli %scan3A_180#1, %mul3A_187 : vector<16xi32>
    %add3A_189 = arith.addi %mul3A_188, %iota3A : vector<16xi32>
    %eq3A_190 = vector.broadcast %reduce_max3A_185 : f32 to vector<16xf32>
    %eq3A_191 = arith.cmpf oeq, %scan3A_180#0, %eq3A_190 : vector<16xf32>
    %jit3A_192 = arith.constant 2147483647 : i32
    %broadcast_in_dim3A_193 = vector.broadcast %jit3A_192 : i32 to vector<16xi32>
    %select_n3A_194 = arith.select %eq3A_191, %add3A_189, %broadcast_in_dim3A_193 : vector<16xi1>, vector<16xi32>
    %reduce_min3A_195 = arith.constant true
    %reduce_min3A_196 = vector.broadcast %reduce_min3A_195 : i1 to vector<16xi1>
    %reduce_min3A_197 = arith.constant -2147483648 : i32
    %reduce_min3A_198 = vector.broadcast %reduce_min3A_197 : i32 to vector<16xi32>
    %reduce_min3A_199 = arith.xori %select_n3A_194, %reduce_min3A_198 : vector<16xi32>
    %reduce_min3A_200 = tpu.scan <min>, %reduce_min3A_199 masked %reduce_min3A_196 : vector<16xi32>, vector<16xi1> -> vector<16xi32>
    %reduce_min3A_201 = arith.xori %reduce_min3A_200, %reduce_min3A_198 : vector<16xi32>
    %reduce_min3A_202 = vector.extract %reduce_min3A_201[15] : i32 from vector<16xi32>
    %eq3A_203 = arith.constant 3 : i32
    %eq3A_204 = vector.broadcast %eq3A_203 : i32 to vector<16xi32>
    %eq3A_205 = arith.cmpi eq, %iota3A, %eq3A_204 : vector<16xi32>
    %broadcast_in_dim3A_206 = vector.broadcast %reduce_min3A_202 : i32 to vector<16xi32>
    %select_n3A_207 = arith.select %eq3A_205, %broadcast_in_dim3A_206, %select_n3A_163 : vector<16xi1>, vector<16xi32>
    %swap3A = arith.constant 0 : index
    %swap3A_208 = tpu.vector_load %arg6[%swap3A] {strides = array<i32>} : memref<16xi32, #tpu.memory_space<vmem>>, vector<16xi32>,
    tpu.vector_store %arg6[%swap3A], %select_n3A_207 {strides = array<i32>} : memref<16xi32, #tpu.memory_space<vmem>>, vector<16xi32>,
    "tpu.region"() ({
      %run_scoped3A = tpu.sem_alloc : memref<!tpu.dma_semaphore, #tpu.memory_space<semaphore_mem>>
      %dma_start3A_209 = arith.constant 0 : i32
      %dma_start3A_210 = tpu.memref_slice %arg3[%add3A, %dma_start3A_209] : memref<32x16xi32, #tpu.memory_space<hbm>> -> memref<1x16xi32, #tpu.memory_space<hbm>>
      %dma_start3A_211 = tpu.memref_squeeze %dma_start3A_210 : memref<1x16xi32, #tpu.memory_space<hbm>> -> memref<16xi32, #tpu.memory_space<hbm>>
      %dma_start3A_212 = arith.constant 0 : i32
      %dma_start3A_213 = tpu.memref_slice %arg3[%add3A, %dma_start3A_212] : memref<32x16xi32, #tpu.memory_space<hbm>> -> memref<1x16xi32, #tpu.memory_space<hbm>>
      %dma_start3A_214 = tpu.memref_squeeze %dma_start3A_213 : memref<1x16xi32, #tpu.memory_space<hbm>> -> memref<16xi32, #tpu.memory_space<hbm>>
      tpu.enqueue_dma source(%arg6 : memref<16xi32, #tpu.memory_space<vmem>>) target(%dma_start3A_214 : memref<16xi32, #tpu.memory_space<hbm>>) target_semaphore(%run_scoped3A : memref<!tpu.dma_semaphore, #tpu.memory_space<semaphore_mem>>)
      %dma_wait3A_215 = arith.constant 0 : i32
      %dma_wait3A_216 = tpu.memref_slice %arg3[%add3A, %dma_wait3A_215] : memref<32x16xi32, #tpu.memory_space<hbm>> -> memref<1x16xi32, #tpu.memory_space<hbm>>
      %dma_wait3A_217 = tpu.memref_squeeze %dma_wait3A_216 : memref<1x16xi32, #tpu.memory_space<hbm>> -> memref<16xi32, #tpu.memory_space<hbm>>
      %dma_wait3A_218 = arith.constant 0 : i32
      %dma_wait3A_219 = tpu.memref_slice %arg3[%add3A, %dma_wait3A_218] : memref<32x16xi32, #tpu.memory_space<hbm>> -> memref<1x16xi32, #tpu.memory_space<hbm>>
      %dma_wait3A_220 = tpu.memref_squeeze %dma_wait3A_219 : memref<1x16xi32, #tpu.memory_space<hbm>> -> memref<16xi32, #tpu.memory_space<hbm>>
      tpu.wait_dma2 semaphore(%run_scoped3A : memref<!tpu.dma_semaphore, #tpu.memory_space<semaphore_mem>>) src(%arg6 : memref<16xi32, #tpu.memory_space<vmem>>) dst(%dma_wait3A_220 : memref<16xi32, #tpu.memory_space<hbm>>)
      tpu.yield
    }) : () -> ()
    return
  }
}

</mosaic_0001>

<sc_bundles>
// kernel: kernel.3.cloned.1.call-start
scs
__scs_entry_jumppad:
0x0: {  	(pc) =	sbr.rel $0x88, $3  }
0x1: {  	(tag) =	ssettag $0x0;
	lr =	simm.s32 $0x1  }
0x2: {  	[smem:$0x3FA0] =	sst lr;
	_ =	strace $0xD0000000  }
0x3: {  	_ = 	snop  }
0x4: {  	_ = 	snop  }
0x5: {  	_ = 	snop  }
0x6: {  	_ = 	snop  }
0x7: {  	_ = 	snop  }
__scs_overlays_trampoline_lowered:
0x8: {  	[smem:$0x3FAF] =	sst s0  }
0x9: {  	[smem:$0x3FB0] =	sst s1  }
0xa: {  	[smem:$0x3FB1] =	sst s2  }
0xb: {  	[smem:$0x3FB2] =	sst s3  }
0xc: {  	[smem:$0x3FB3] =	sst s4  }
0xd: {  	[smem:$0x3FB4] =	sst s5  }
0xe: {  	[smem:$0x3FB5] =	sst s6  }
0xf: {  	[smem:$0x3FB6] =	sst s7  }
0x10: {  	[smem:$0x3FB7] =	sst s8  }
0x11: {  	[smem:$0x3FB8] =	sst s9;
	s0 =	simm.s32 @!p0 $0x0  }
0x12: {  	s1 =	sld [smem:$0x3F9E];
	s0 =	simm.s32 @p0 $0x1  }
0x13: {  	[smem:$0x3FB9] =	sst s0;
	s0 =	simm.s32 @!p1 $0x0  }
0x14: {  	s2 =	sld [smem:$0x3F9D];
	s0 =	simm.s32 @p1 $0x1  }
0x15: {  	[smem:$0x3FBA] =	sst s0;
	s0 =	simm.s32 @!p2 $0x0  }
0x16: {  	s3 =	sld [smem:$0x3FDB];
	s0 =	simm.s32 @p2 $0x1  }
0x17: {  	s4 =	simm.s32 $0x1BF5;
	[smem:$0x3FBC] =	sst s0  }
0x18: {  	s0 =	sld [smem:$0x3F9F];
	_ =	swait.ge [sflag:s4], $0x0  }
0x19: {  	s7 =	sld [smem:$0x3FA0]  }
0x1a: {  	s8 =	sadd.s32 $0xFFFFE003, lr  }
0x1b: {  	s9 =	sadd.s32 $0xFFFFFEF7, lr;
	s5 =	simm.s32 $0xFFFFFFFF;
	p2 =	slt.u32 s8, $0xFFFFF086  }
0x1c: {  	p1 =	slt.u32 s9, $0xF7A;
	s5 =	simm.s32 @!p2 $0x0  }
0x1d: {  	s5 =	simm.s32 @p1 $0x1;
	p0 =	seq.s32 s7, s2  }
0x1e: {  	s7 =	smul.u32 @!p0 $0xF7A, s2;
	p2 =	seq.s32 @!p0 s5, $0x0  }
0x1f: {  	s9 =	smul.u32 $0xF7A, s1;
	s8 =	simm.s32 @!p0 $0x1BF5;
	p2 =	por !p2, p0  }
0x20: {  	[sflag:s8] =	ssyncset.s32 @!p0 $0xFFFFF086;
	s6 =	sadd.s32 @!p0 s3, s7;
	s7 =	simm.s32 @!p0 $0x108  }
0x21: {  	s3 =	sadd.s32 s3, s9;
	s6 =	sadd.s32 @!p0 $0x88, s6;
	s7 =	simm.s32 @p2 $0x1082  }
0x22: {  	[simem:s7], [sflag:s8] =	dma.local @!p0 [hbm:s6], $0xF7A  }
0x23: {  	s9 =	sor.u32 $0xD0000000, s2;
	s6 =	simm.s32 $0x108;
	_ =	swait.ge @!p0 [sflag:s8], $0x0  }
0x24: {  	s3 =	sadd.s32 $0x88, s3;
	s6 =	simm.s32 @!p1 $0x1082;
	[sflag:s4] =	ssyncset.s32 $0xFFFFF086  }
0x25: {  	[simem:s6], [sflag:s4] =	dma.local [hbm:s3], $0xF7A  }
0x26: {  	[smem:$0x3FA0] =	sst s1;
	(tag) =	ssettag s2;
	_ =	strace s9  }
0x27: {  	s1 =	sld [smem:$0x3FB0]  }
0x28: {  	s2 =	sld [smem:$0x3FB1]  }
0x29: {  	s4 =	sld [smem:$0x3FB3]  }
0x2a: {  	p0 =	seq.s32 s5, $0x0;
	s5 =	sld [smem:$0x3FB4]  }
0x2b: {  	s6 =	sld [smem:$0x3FB5]  }
0x2c: {  	s7 =	sld [smem:$0x3FB6]  }
0x2d: {  	s3 =	simm.s32 $0x108;
	s8 =	sld [smem:$0x3FB7]  }
0x2e: {  	s3 =	simm.s32 @!p0 $0x1082;
	s9 =	sld [smem:$0x3FB8]  }
0x2f: {  	lr =	sadd.s32 s0, s3;
	s0 =	sld [smem:$0x3FAF]  }
0x30: {  	s3 =	sld [smem:$0x3FB2]  }
0x31: {  	[smem:$0x3FBB] =	sst s10  }
0x32: {  	s10 =	sld [smem:$0x3FB9];
	_ =	sdelay $0x3  }
0x33: {  	p0 =	seq.s32 s10, $0x1;
	s10 =	sld [smem:$0x3FBB];
	_ =	sdelay $0x3  }
0x34: {  	[smem:$0x3FBB] =	sst s10  }
0x35: {  	s10 =	sld [smem:$0x3FBA];
	_ =	sdelay $0x3  }
0x36: {  	p1 =	seq.s32 s10, $0x1;
	s10 =	sld [smem:$0x3FBB];
	_ =	sdelay $0x3  }
0x37: {  	[smem:$0x3FBB] =	sst s10  }
0x38: {  	s10 =	sld [smem:$0x3FBC]  }
0x39: {  	_ = 	snop;
	(pc) =	sbr.ind lr, $3  }
0x3a: {  	_ = 	snop  }
0x3b: {  	_ = 	snop  }
0x3c: {  	p2 =	seq.s32 s10, $0x1;
	s10 =	sld [smem:$0x3FBB]  }
0x3d: {  	_ =	shalt  }
0x3e: {  	_ =	shalt  }
0x3f: {  	_ =	shalt  }
0x40: {  	_ =	shalt  }
0x41: {  	_ =	shalt  }
0x42: {  	_ =	shalt  }
0x43: {  	_ =	shalt  }
0x44: {  	_ =	shalt  }
0x45: {  	_ =	shalt  }
0x46: {  	_ =	shalt  }
0x47: {  	_ =	shalt  }
0x48: {  	_ =	shalt  }
0x49: {  	_ =	shalt  }
0x4a: {  	_ =	shalt  }
0x4b: {  	_ =	shalt  }
0x4c: {  	_ =	shalt  }
0x4d: {  	_ =	shalt  }
0x4e: {  	_ =	shalt  }
0x4f: {  	_ =	shalt  }
0x50: {  	_ =	shalt  }
0x51: {  	_ =	shalt  }
0x52: {  	_ =	shalt  }
0x53: {  	_ =	shalt  }
0x54: {  	_ =	shalt  }
0x55: {  	_ =	shalt  }
0x56: {  	_ =	shalt  }
0x57: {  	_ =	shalt  }
0x58: {  	_ =	shalt  }
0x59: {  	_ =	shalt  }
0x5a: {  	_ =	shalt  }
0x5b: {  	_ =	shalt  }
0x5c: {  	_ =	shalt  }
0x5d: {  	_ =	shalt  }
0x5e: {  	_ =	shalt  }
0x5f: {  	_ =	shalt  }
0x60: {  	_ =	shalt  }
0x61: {  	_ =	shalt  }
0x62: {  	_ =	shalt  }
0x63: {  	_ =	shalt  }
0x64: {  	_ =	shalt  }
0x65: {  	_ =	shalt  }
0x66: {  	_ =	shalt  }
0x67: {  	_ =	shalt  }
0x68: {  	_ =	shalt  }
0x69: {  	_ =	shalt  }
0x6a: {  	_ =	shalt  }
0x6b: {  	_ =	shalt  }
0x6c: {  	_ =	shalt  }
0x6d: {  	_ =	shalt  }
0x6e: {  	_ =	shalt  }
0x6f: {  	_ =	shalt  }
0x70: {  	_ =	shalt  }
0x71: {  	_ =	shalt  }
0x72: {  	_ =	shalt  }
0x73: {  	_ =	shalt  }
0x74: {  	_ =	shalt  }
0x75: {  	_ =	shalt  }
0x76: {  	_ =	shalt  }
0x77: {  	_ =	shalt  }
0x78: {  	_ =	shalt  }
0x79: {  	_ =	shalt  }
0x7a: {  	_ =	shalt  }
0x7b: {  	_ =	shalt  }
0x7c: {  	_ =	shalt  }
0x7d: {  	_ =	shalt  }
0x7e: {  	_ =	shalt  }
0x7f: {  	_ =	shalt  }
0x80: {  	_ =	shalt  }
0x81: {  	_ =	shalt  }
0x82: {  	_ =	shalt  }
0x83: {  	_ =	shalt  }
0x84: {  	_ =	shalt  }
0x85: {  	_ =	shalt  }
0x86: {  	_ =	shalt  }
0x87: {  	_ =	shalt  }
.Lfunc_end0:
.L_simem_size_0:
called_computation_lowered:
.L_overlay_start_0:
0x88: {  	s2 =	sld [smem:$0x3FD9]  }
0x89: {  	s3 =	sld [smem:$0x3FFE];
	_ =	sdelay $0x1  }
0x8a: {  	s1 =	srdreg.scid  }
0x8b: {  	s0 =	sand.u32 $0x1, s1  }
0x8c: {  	s17 =	sshll.u32 s0, $0xA;
	s2 =	sadd.s32 s3, s2  }
0x8d: {  	s2 =	sadd.s32 s2, s17  }
0x8e: {  	[smem:$0x3FC7] =	sst s2  }
0x8f: {  	_ = 	snop  }
0x90: {  	s2 =	sld [smem:$0x3FC9];
	(tm) =	ssettm $0x1  }
0x91: {  	s18 =	sld [smem:$0x3FFB];
	_ =	sdelay $0x3  }
0x92: {  	_ =	strace s18  }
0x93: {  	s3 =	sld [smem:$0x3FFC];
	_ =	sdelay $0x3  }
0x94: {  	_ =	strace s3  }
0x95: {  	s3 =	sld [smem:$0x3FFD];
	_ =	sdelay $0x3  }
0x96: {  	_ =	strace s3  }
0x97: {  	_ =	strace $0x8FFFFFFF  }
0x98: {  	s19 =	sld [smem:$0x3FDB];
	_ =	sdelay $0x1  }
0x99: {  	s4 =	simm.s32 $_scs_section_size  }
0x9a: {  	s5 =	simm.s32 $_size__tile_overlayer_lowered;
	s6 =	simm.s32 $_tile_overlayer_lowered  }
0x9b: {  	s22 =	simm.s32 $0x1BFF;
	s21 =	sshll.u32 s6, $0x1;
	s3 =	sadd.s32 s4, s19  }
0x9c: {  	s7 =	simm.s32 $0x0;
	s20 =	sshll.u32 s5, $0x1;
	s5 =	sadd.s32 s21, s3  }
0x9d: {  	[timem:s7], [sflag:s22] =	dma.local [hbm:s5], s20  }
0x9e: {  	_ =	swait.ge [sflag:s22], s20  }
0x9f: {  	s4 =	ssub.s32 $0x0, s20;
	[sflag:s22] =	ssyncset.done $0x0  }
0xa0: {  	[sflag:s22] =	ssyncadd.s32 s4;
	_ =	sdelay $0x1  }
0xa1: {  	s23 =	simm.s32 $0x1B8B  }
0xa2: {  	_ =	swait.ge [sflag:s23], $0x1  }
0xa3: {  	[sflag:s23] =	ssyncset.done $0x0  }
0xa4: {  	s25 =	simm.s32 $0x1B8E;
	s24 =	sld [smem:$0x3FFE];
	[sflag:s23] =	ssyncadd.s32 $0xFFFFFFFF  }
0xa5: {  	s26 =	simm.s32 $execute0_lowered;
	[smem:$0x3FD2] =	sst s25  }
0xa6: {  	s5 =	sshll.u32 s26, $0x1;
	_ =	strace $0x80000046;
	[dreg:$0x1] =	wrdreg $0xFFFFFFFF  }
0xa7: {  	s28 =	simm.s32 $_size_execute0_lowered;
	s3 =	sadd.s32 s3, s5;
	[dreg:$0x0] =	wrdreg $0x0  }
0xa8: {  	s5 =	sshll.u32 s28, $0x1;
	[dreg:$0x2] =	wrdreg s3  }
0xa9: {  	[dreg:$0x3] =	wrdreg s5  }
0xaa: {  	[dreg:$0x4] =	wrdreg $0xC0  }
0xab: {  	_ =	task [dreg:s7], $0x5FFFF  }
0xac: {  	[dreg:$0x1] =	wrdreg $0xFFFFFFFF  }
0xad: {  	[dreg:$0x0] =	wrdreg $0x60  }
0xae: {  	[dreg:$0x2] =	wrdreg s2  }
0xaf: {  	[dreg:$0x3] =	wrdreg s24  }
0xb0: {  	[dreg:$0x4] =	wrdreg $0x9  }
0xb1: {  	_ =	task.clear_ibuf [dreg:s7], $0x5FFFF;
	_ =	strace $0x90000046  }
0xb2: {  	s29 =	simm.s32 $0x9;
	_ =	strace $0x80000048  }
0xb3: {  	_ =	swait.ge [sflag:s29], $0x1  }
0xb4: {  	[sflag:s29] =	ssyncadd.s32 $0xFFFFFFFF  }
0xb5: {  	_ =	strace $0x90000048  }
0xb6: {  	_ =	sfence  }
0xb7: {  	s30 =	sld [smem:$0x0];
	_ =	sdelay $0x2  }
0xb8: {  	s31 =	sshll.u32 s1, $0xD;
	s1 =	sshrl.u32 s1, $0x2  }
0xb9: {  	s3 =	sand.u32 $0x4000, s31;
	s1 =	sadd.s32 s1, s30  }
0xba: {  	s0 =	sor.u32 s3, s0;
	s1 =	sshll.u32 s1, $0x11  }
0xbb: {  	s0 =	sor.u32 s1, s0  }
0xbc: {  	s0 =	sadd.s32 $0x8F2B, s0  }
0xbd: {  	[sflag:s0] =	ssyncadd.remote.s32 $0x1  }
0xbe: {  	_ =	sfence.sel $0xFFFF  }
0xbf: {  	[dreg:$0x0] =	wrdreg $0xFFFFFFFF;
	(pc) =	sbr.abs _section_cstart, $3  }
0xc0: {  	[dreg:$0x1] =	wrdreg $0xFFFFFFFF  }
0xc1: {  	_ =	task.clear_ibuf [dreg:s7], $0x2FFFF;
	_ =	strace $0x9FFFFFFF  }
0xc2: {  	(tm) =	ssettm $0x7FFFFFFF  }
0xc3: {  	_ =	shalt  }
tec
execute0_lowered:
.L_overlay_start_1:
0x0: {  	(tag) =	ssettag $0x1  }
0x1: {  	s3 =	rddreg [dreg:$0x0]  }
0x2: {  	s4 =	rddreg [dreg:$0x1]  }
0x3: {  	s0 =	rddreg [dreg:$0x2]  }
0x4: {  	s1 =	simm.s32 $0x0;
	s2 =	srdreg.scid;
	s9 =	simm.s32 $0x80  }
0x5: {  	s10 =	simm.s32 $0x400;
	s11 =	simm.s32 $0x8000;
	s12 =	simm.s32 $0x1  }
0x6: {  	s13 =	simm.s32 $0x2;
	s14 =	simm.s32 $0x10000;
	s15 =	simm.s32 $0x3  }
0x7: {  	s16 =	simm.s32 $0x0;
	[smem:$0x7FF] =	sst s1;
	s5 =	sand.u32 $0x1, s2  }
0x8: {  	s2 =	stileid.u32;
	_ =	strace $0x80000047;
	s6 =	sshll.u32 s5, $0x4  }
0x9: {  	s7 =	sshll.u32 s5, $0x6;
	s8 =	sshll.u32 s2, $0xF;
	s25 =	ssub.s32 $0x2, s5  }
0xa: {  	s29 =	sshll.u32 s2, $0x5;
	s26 =	sor.u32 s7, s8;
	s28 =	sshrl.u32 s25, $0x1  }
0xb: {  	s6 =	sadd.s32 s6, s4;
	s3 =	sadd.s32 s3, s26;
	s30 =	ssub.s32 s25, s28  }
0xc: {  	v0 =	vlaneseq.u32;
	vm0 =	vcmask $0x300;
	vm1 =	vcmask $0x704;
	s31 =	sadd.s32 s29, s6;
	s4 =	sadd.s32 $0x10, s3;
	s5 =	sadd.s32 $0x20, s3  }
0xd: {  	vm2 =	vcmask $0xB08;
	vm3 =	vcmask $0xF0C;
	v0 =	vor.u32 $0x80000000, v0;
	s6 =	sadd.s32 $0x30, s3;
	s7 =	sadd.s32 $0x400, s31;
	s8 =	smax.u32 s30, $0x1  }
.LBB2_1:
0xe: {  	[tilespmem:s1], [sflag:$0x1] =	stream.strided.gather [hbm4b:s3+s9], $0x8000, s10, s9, $0x38;
	[tilespmem:$0x10080] =	vst v63  }
0xf: {  	_ = 	snop  }
0x10: {  	[tilespmem:s11], [sflag:$0x2] =	stream.strided.gather [hbm4b:s4+s9], $0x8000, s10, s9, $0x38;
	[tilespmem:$0x10080] =	vst v63  }
0x11: {  	_ =	swait.ge [sflag:s12], $0x8000  }
0x12: {  	[sflag:s12] =	ssyncset.done $0x0  }
0x13: {  	s17 =	simm.s32 $0x40;
	[sflag:s12] =	ssyncadd.s32 $0xFFFF8000  }
0x14: {  	v3 =	vld [tilespmem:s17+$0x10]  }
0x15: {  	v2 =	vld [tilespmem:s17+$0xFFFFFFC0]  }
0x16: {  	v4 =	vld [tilespmem:s17+$0xFFFFFFD0]  }
0x17: {  	v5 =	vld [tilespmem:s17+$0xFFFFFFE0]  }
0x18: {  	v7 =	vld [tilespmem:s17+$0xFFFFFFF0]  }
0x19: {  	v6 =	vimm.f32 $-Inf;
	s18 =	simm.s32 $0xC0;
	v8 =	vld [tilespmem:s17+$0x0]  }
0x1a: {  	v9 =	vimm.s32 $0x0;
	s19 =	simm.s32 $0x0;
	v1 =	vld [tilespmem:s18+$0x10];
	vm4 =	vgt.f32 v2, v6;
	v2 =	vmax.f32 v2, v6  }
0x1b: {  	s28 =	simm.s32 $0x1;
	v6 =	vsel vm4, s19, v9;
	vm4 =	vgt.f32 v4, v2;
	v2 =	vmax.f32 v4, v2;
	v9 =	vld [tilespmem:s17+$0x20]  }
0x1c: {  	s29 =	simm.s32 $0x2;
	v10 =	vld [tilespmem:s17+$0x30];
	v4 =	vsel vm4, s28, v6;
	vm4 =	vgt.f32 v5, v2;
	v2 =	vmax.f32 v5, v2  }
0x1d: {  	s30 =	simm.s32 $0x3;
	v6 =	vld [tilespmem:s18+$0xFFFFFFC0];
	v5 =	vsel vm4, s29, v4;
	vm4 =	vgt.f32 v7, v2;
	v2 =	vmax.f32 v7, v2  }
0x1e: {  	s31 =	simm.s32 $0x4;
	v4 =	vld [tilespmem:s18+$0xFFFFFFD0];
	v5 =	vsel vm4, s30, v5;
	vm4 =	vgt.f32 v8, v2;
	v7 =	vmax.f32 v8, v2  }
0x1f: {  	s20 =	simm.s32 $0x5;
	v2 =	vld [tilespmem:s18+$0xFFFFFFE0];
	v5 =	vsel vm4, s31, v5;
	vm4 =	vgt.f32 v3, v7;
	v7 =	vmax.f32 v3, v7  }
0x20: {  	s23 =	simm.s32 $0x6;
	s21 =	simm.s32 $0x17;
	s22 =	simm.s32 $0x140;
	v3 =	vld [tilespmem:s18+$0xFFFFFFF0];
	v8 =	vsel vm4, s20, v5;
	vm4 =	vgt.f32 v9, v7;
	v9 =	vmax.f32 v9, v7  }
0x21: {  	s19 =	simm.s32 $0x7;
	s17 =	simm.s32 $0xF;
	s20 =	simm.s32 $0x8;
	v5 =	vld [tilespmem:s18+$0x0];
	v7 =	vsel vm4, s23, v8;
	vm4 =	vgt.f32 v10, v9;
	v8 =	vmax.f32 v10, v9  }
.LBB2_2:
0x22: {  	s23 =	sadd.s32 $0xFFFFFFF9, s21;
	p0 =	sne.s32 s21, $0x7FF  }
0x23: {  	v9 =	vld [tilespmem:s22+$0x10];
	vm5 =	vgt.f32 v6, v8;
	v6 =	vmax.f32 v6, v8;
	v7 =	vsel vm4, s19, v7;
	s19 =	smov.u32 s17;
	s17 =	smov.u32 s21;
	s21 =	sadd.s32 $0x8, s21  }
0x24: {  	v7 =	vsel vm5, s20, v7;
	s24 =	sadd.s32 $0xFFFFFFFA, s19;
	vm4 =	vgt.f32 v4, v6;
	v4 =	vmax.f32 v4, v6;
	v8 =	vld [tilespmem:s18+$0x20];
	s20 =	smov.u32 s23  }
0x25: {  	s23 =	sadd.s32 $0xFFFFFFFB, s19;
	v7 =	vsel vm4, s24, v7;
	vm4 =	vgt.f32 v2, v4;
	v2 =	vmax.f32 v2, v4;
	v10 =	vld [tilespmem:s18+$0x30];
	s18 =	smov.u32 s22  }
.Ltmp0:
0x26: {  	v6 =	vld [tilespmem:s22+$0xFFFFFFC0];
	v7 =	vsel vm4, s23, v7;
	s23 =	sadd.s32 $0xFFFFFFFC, s19;
	vm4 =	vgt.f32 v3, v2;
	v2 =	vmax.f32 v3, v2;
	(pc) =	sbr.rel @p0 .LBB2_2-.Ltmp0, $4  }
0x27: {  	v4 =	vld [tilespmem:s22+$0xFFFFFFD0];
	v3 =	vsel vm4, s23, v7;
	s23 =	sadd.s32 $0xFFFFFFFD, s19;
	vm4 =	vgt.f32 v5, v2;
	v5 =	vmax.f32 v5, v2  }
0x28: {  	v2 =	vld [tilespmem:s22+$0xFFFFFFE0];
	v7 =	vsel vm4, s23, v3;
	s23 =	sadd.s32 $0xFFFFFFFE, s19;
	vm4 =	vgt.f32 v1, v5;
	v5 =	vmax.f32 v1, v5;
	v1 =	vmovc v9  }
0x29: {  	v3 =	vld [tilespmem:s22+$0xFFFFFFF0];
	v7 =	vsel vm4, s23, v7;
	s23 =	sadd.s32 $0xFFFFFFFF, s19;
	vm4 =	vgt.f32 v8, v5;
	v8 =	vmax.f32 v8, v5  }
0x2a: {  	s22 =	sadd.s32 $0x80, s22;
	v5 =	vld [tilespmem:s18+$0x0];
	v7 =	vsel vm4, s23, v7;
	vm4 =	vgt.f32 v10, v8;
	v8 =	vmax.f32 v10, v8  }
0x2b: {  	v9 =	vld [tilespmem:s18+$0x20]  }
0x2c: {  	v10 =	vld [tilespmem:s18+$0x30];
	[tilespmem:s1], [sflag:$0x1] =	stream.strided.gather [hbm4b:s5+s9], $0x8000, s10, s9, $0x38  }
0x2d: {  	vm5 =	vgt.f32 v6, v8;
	v6 =	vmax.f32 v6, v8;
	v7 =	vsel vm4, s19, v7;
	_ =	swait.ge [sflag:s13], $0x8000  }
0x2e: {  	s31 =	sadd.s32 $0xFFFFFFFA, s17;
	v7 =	vsel vm5, s20, v7;
	vm4 =	vgt.f32 v4, v6;
	v4 =	vmax.f32 v4, v6;
	[sflag:s13] =	ssyncset.done $0x0  }
0x2f: {  	s19 =	sadd.s32 $0xFFFFFFFB, s17;
	s20 =	simm.s32 $0x8040;
	v6 =	vsel vm4, s31, v7;
	vm4 =	vgt.f32 v2, v4;
	v2 =	vmax.f32 v2, v4;
	[sflag:s13] =	ssyncadd.s32 $0xFFFF8000  }
0x30: {  	s21 =	sadd.s32 $0xFFFFFFFC, s17;
	v4 =	vsel vm4, s19, v6;
	vm4 =	vgt.f32 v3, v2;
	v7 =	vld [tilespmem:s20+$0x10]  }
0x31: {  	v8 =	vimm.f32 $-Inf;
	v2 =	vmax.f32 v3, v2;
	v3 =	vsel vm4, s21, v4;
	v4 =	vld [tilespmem:s20+$0xFFFFFFC0]  }
0x32: {  	s22 =	sadd.s32 $0xFFFFFFFD, s17;
	v11 =	vimm.s32 $0x0;
	vm4 =	vgt.f32 v5, v2;
	v2 =	vmax.f32 v5, v2;
	v5 =	vld [tilespmem:s20+$0xFFFFFFD0]  }
0x33: {  	s23 =	sadd.s32 $0xFFFFFFFE, s17;
	v6 =	vld [tilespmem:s20+$0xFFFFFFE0];
	v3 =	vsel vm4, s22, v3;
	vm4 =	vgt.f32 v1, v2;
	v1 =	vmax.f32 v1, v2  }
0x34: {  	s24 =	sadd.s32 $0xFFFFFFFF, s17;
	v2 =	vsel vm4, s23, v3;
	vm4 =	vgt.f32 v9, v1;
	v1 =	vmax.f32 v9, v1;
	v9 =	vld [tilespmem:s20+$0xFFFFFFF0]  }
0x35: {  	v2 =	vsel vm4, s24, v2;
	vm4 =	vgt.f32 v10, v1;
	v1 =	vmax.f32 v10, v1;
	v10 =	vld [tilespmem:s20+$0x0]  }
0x36: {  	s25 =	simm.s32 $0x0;
	v12 =	vld [tilespmem:s20+$0x30];
	v2 =	vsel vm4, s17, v2;
	vm4 =	vgt.f32 v4, v8;
	v4 =	vmax.f32 v4, v8  }
0x37: {  	s18 =	simm.s32 $0x80C0;
	s26 =	simm.s32 $0x1;
	v8 =	vsel vm4, s25, v11;
	vm4 =	vgt.f32 v5, v4;
	v4 =	vmax.f32 v5, v4;
	v11 =	vld [tilespmem:s20+$0x20]  }
0x38: {  	s28 =	simm.s32 $0x2;
	v3 =	vld [tilespmem:s18+$0x10];
	v5 =	vsel vm4, s26, v8;
	vm4 =	vgt.f32 v6, v4;
	v4 =	vmax.f32 v6, v4  }
0x39: {  	s29 =	simm.s32 $0x3;
	v8 =	vld [tilespmem:s18+$0xFFFFFFC0];
	v5 =	vsel vm4, s28, v5;
	vm4 =	vgt.f32 v9, v4;
	v4 =	vmax.f32 v9, v4  }
0x3a: {  	s30 =	simm.s32 $0x4;
	v6 =	vld [tilespmem:s18+$0xFFFFFFD0];
	v5 =	vsel vm4, s29, v5;
	vm4 =	vgt.f32 v10, v4;
	v9 =	vmax.f32 v10, v4  }
0x3b: {  	s31 =	simm.s32 $0x5;
	v4 =	vld [tilespmem:s18+$0xFFFFFFE0];
	v10 =	vsel vm4, s30, v5;
	vm4 =	vgt.f32 v7, v9;
	v7 =	vmax.f32 v7, v9  }
0x3c: {  	s19 =	simm.s32 $0x7;
	s21 =	simm.s32 $0x17;
	s23 =	simm.s32 $0x6;
	v5 =	vld [tilespmem:s18+$0xFFFFFFF0];
	v9 =	vsel vm4, s31, v10;
	vm4 =	vgt.f32 v11, v7;
	v10 =	vmax.f32 v11, v7  }
0x3d: {  	s22 =	simm.s32 $0x8140;
	s17 =	simm.s32 $0xF;
	s20 =	simm.s32 $0x8;
	v7 =	vld [tilespmem:s18+$0x0];
	v9 =	vsel vm4, s23, v9;
	vm4 =	vgt.f32 v12, v10;
	v10 =	vmax.f32 v12, v10  }
.LBB2_4:
0x3e: {  	s23 =	sadd.s32 $0xFFFFFFF9, s21;
	p0 =	sne.s32 s21, $0x7FF  }
0x3f: {  	v11 =	vld [tilespmem:s22+$0x10];
	vm5 =	vgt.f32 v8, v10;
	v8 =	vmax.f32 v8, v10;
	v9 =	vsel vm4, s19, v9;
	s19 =	smov.u32 s17;
	s17 =	smov.u32 s21;
	s21 =	sadd.s32 $0x8, s21  }
0x40: {  	v9 =	vsel vm5, s20, v9;
	s24 =	sadd.s32 $0xFFFFFFFA, s19;
	vm4 =	vgt.f32 v6, v8;
	v6 =	vmax.f32 v6, v8;
	v10 =	vld [tilespmem:s18+$0x20];
	s20 =	smov.u32 s23  }
0x41: {  	s23 =	sadd.s32 $0xFFFFFFFB, s19;
	v9 =	vsel vm4, s24, v9;
	vm4 =	vgt.f32 v4, v6;
	v4 =	vmax.f32 v4, v6;
	v12 =	vld [tilespmem:s18+$0x30];
	s18 =	smov.u32 s22  }
.Ltmp1:
0x42: {  	v8 =	vld [tilespmem:s22+$0xFFFFFFC0];
	v9 =	vsel vm4, s23, v9;
	s23 =	sadd.s32 $0xFFFFFFFC, s19;
	vm4 =	vgt.f32 v5, v4;
	v4 =	vmax.f32 v5, v4;
	(pc) =	sbr.rel @p0 .LBB2_4-.Ltmp1, $4  }
0x43: {  	v6 =	vld [tilespmem:s22+$0xFFFFFFD0];
	v5 =	vsel vm4, s23, v9;
	s23 =	sadd.s32 $0xFFFFFFFD, s19;
	vm4 =	vgt.f32 v7, v4;
	v7 =	vmax.f32 v7, v4  }
0x44: {  	v4 =	vld [tilespmem:s22+$0xFFFFFFE0];
	v9 =	vsel vm4, s23, v5;
	s23 =	sadd.s32 $0xFFFFFFFE, s19;
	vm4 =	vgt.f32 v3, v7;
	v7 =	vmax.f32 v3, v7;
	v3 =	vmovc v11  }
0x45: {  	v5 =	vld [tilespmem:s22+$0xFFFFFFF0];
	v9 =	vsel vm4, s23, v9;
	s23 =	sadd.s32 $0xFFFFFFFF, s19;
	vm4 =	vgt.f32 v10, v7;
	v10 =	vmax.f32 v10, v7  }
0x46: {  	s22 =	sadd.s32 $0x80, s22;
	v7 =	vld [tilespmem:s18+$0x0];
	v9 =	vsel vm4, s23, v9;
	vm4 =	vgt.f32 v12, v10;
	v10 =	vmax.f32 v12, v10  }
0x47: {  	v11 =	vld [tilespmem:s18+$0x20]  }
0x48: {  	v12 =	vld [tilespmem:s18+$0x30];
	[tilespmem:s11], [sflag:$0x2] =	stream.strided.gather [hbm4b:s6+s9], $0x8000, s10, s9, $0x38  }
0x49: {  	vm5 =	vgt.f32 v8, v10;
	v8 =	vmax.f32 v8, v10;
	v9 =	vsel vm4, s19, v9;
	_ =	swait.ge [sflag:s12], $0x8000  }
0x4a: {  	s31 =	sadd.s32 $0xFFFFFFFA, s17;
	v9 =	vsel vm5, s20, v9;
	vm4 =	vgt.f32 v6, v8;
	v6 =	vmax.f32 v6, v8;
	[sflag:s12] =	ssyncset.done $0x0  }
0x4b: {  	s19 =	sadd.s32 $0xFFFFFFFB, s17;
	s20 =	simm.s32 $0x40;
	v8 =	vsel vm4, s31, v9;
	vm4 =	vgt.f32 v4, v6;
	v4 =	vmax.f32 v4, v6;
	[sflag:s12] =	ssyncadd.s32 $0xFFFF8000  }
0x4c: {  	s21 =	sadd.s32 $0xFFFFFFFC, s17;
	v6 =	vsel vm4, s19, v8;
	vm4 =	vgt.f32 v5, v4;
	v9 =	vld [tilespmem:s20+$0x10]  }
0x4d: {  	v10 =	vimm.f32 $-Inf;
	v4 =	vmax.f32 v5, v4;
	v5 =	vsel vm4, s21, v6;
	v6 =	vld [tilespmem:s20+$0xFFFFFFC0]  }
0x4e: {  	s22 =	sadd.s32 $0xFFFFFFFD, s17;
	v13 =	vimm.s32 $0x0;
	vm4 =	vgt.f32 v7, v4;
	v4 =	vmax.f32 v7, v4;
	v7 =	vld [tilespmem:s20+$0xFFFFFFD0]  }
0x4f: {  	s23 =	sadd.s32 $0xFFFFFFFE, s17;
	v8 =	vld [tilespmem:s20+$0xFFFFFFE0];
	v5 =	vsel vm4, s22, v5;
	vm4 =	vgt.f32 v3, v4;
	v3 =	vmax.f32 v3, v4  }
0x50: {  	s24 =	sadd.s32 $0xFFFFFFFF, s17;
	v4 =	vsel vm4, s23, v5;
	vm4 =	vgt.f32 v11, v3;
	v3 =	vmax.f32 v11, v3;
	v11 =	vld [tilespmem:s20+$0xFFFFFFF0]  }
0x51: {  	v4 =	vsel vm4, s24, v4;
	vm4 =	vgt.f32 v12, v3;
	v3 =	vmax.f32 v12, v3;
	v12 =	vld [tilespmem:s20+$0x0]  }
0x52: {  	s25 =	simm.s32 $0x0;
	v14 =	vld [tilespmem:s20+$0x30];
	v4 =	vsel vm4, s17, v4;
	vm4 =	vgt.f32 v6, v10;
	v6 =	vmax.f32 v6, v10  }
0x53: {  	s18 =	simm.s32 $0xC0;
	s26 =	simm.s32 $0x1;
	v10 =	vsel vm4, s25, v13;
	vm4 =	vgt.f32 v7, v6;
	v6 =	vmax.f32 v7, v6;
	v13 =	vld [tilespmem:s20+$0x20]  }
0x54: {  	s28 =	simm.s32 $0x2;
	v5 =	vld [tilespmem:s18+$0x10];
	v7 =	vsel vm4, s26, v10;
	vm4 =	vgt.f32 v8, v6;
	v6 =	vmax.f32 v8, v6  }
0x55: {  	s29 =	simm.s32 $0x3;
	v10 =	vld [tilespmem:s18+$0xFFFFFFC0];
	v7 =	vsel vm4, s28, v7;
	vm4 =	vgt.f32 v11, v6;
	v6 =	vmax.f32 v11, v6  }
0x56: {  	s30 =	simm.s32 $0x4;
	v8 =	vld [tilespmem:s18+$0xFFFFFFD0];
	v7 =	vsel vm4, s29, v7;
	vm4 =	vgt.f32 v12, v6;
	v11 =	vmax.f32 v12, v6  }
0x57: {  	s31 =	simm.s32 $0x5;
	v6 =	vld [tilespmem:s18+$0xFFFFFFE0];
	v12 =	vsel vm4, s30, v7;
	vm4 =	vgt.f32 v9, v11;
	v9 =	vmax.f32 v9, v11  }
0x58: {  	s19 =	simm.s32 $0x7;
	s21 =	simm.s32 $0x17;
	s23 =	simm.s32 $0x6;
	v7 =	vld [tilespmem:s18+$0xFFFFFFF0];
	v11 =	vsel vm4, s31, v12;
	vm4 =	vgt.f32 v13, v9;
	v12 =	vmax.f32 v13, v9  }
0x59: {  	s22 =	simm.s32 $0x140;
	s17 =	simm.s32 $0xF;
	s20 =	simm.s32 $0x8;
	v9 =	vld [tilespmem:s18+$0x0];
	v11 =	vsel vm4, s23, v11;
	vm4 =	vgt.f32 v14, v12;
	v12 =	vmax.f32 v14, v12  }
.LBB2_6:
0x5a: {  	s23 =	sadd.s32 $0xFFFFFFF9, s21;
	p0 =	sne.s32 s21, $0x7FF  }
0x5b: {  	v13 =	vld [tilespmem:s22+$0x10];
	vm5 =	vgt.f32 v10, v12;
	v10 =	vmax.f32 v10, v12;
	v11 =	vsel vm4, s19, v11;
	s19 =	smov.u32 s17;
	s17 =	smov.u32 s21;
	s21 =	sadd.s32 $0x8, s21  }
0x5c: {  	v11 =	vsel vm5, s20, v11;
	s24 =	sadd.s32 $0xFFFFFFFA, s19;
	vm4 =	vgt.f32 v8, v10;
	v8 =	vmax.f32 v8, v10;
	v12 =	vld [tilespmem:s18+$0x20];
	s20 =	smov.u32 s23  }
0x5d: {  	s23 =	sadd.s32 $0xFFFFFFFB, s19;
	v11 =	vsel vm4, s24, v11;
	vm4 =	vgt.f32 v6, v8;
	v6 =	vmax.f32 v6, v8;
	v14 =	vld [tilespmem:s18+$0x30];
	s18 =	smov.u32 s22  }
.Ltmp2:
0x5e: {  	v10 =	vld [tilespmem:s22+$0xFFFFFFC0];
	v11 =	vsel vm4, s23, v11;
	s23 =	sadd.s32 $0xFFFFFFFC, s19;
	vm4 =	vgt.f32 v7, v6;
	v6 =	vmax.f32 v7, v6;
	(pc) =	sbr.rel @p0 .LBB2_6-.Ltmp2, $4  }
0x5f: {  	v8 =	vld [tilespmem:s22+$0xFFFFFFD0];
	v7 =	vsel vm4, s23, v11;
	s23 =	sadd.s32 $0xFFFFFFFD, s19;
	vm4 =	vgt.f32 v9, v6;
	v9 =	vmax.f32 v9, v6  }
0x60: {  	v6 =	vld [tilespmem:s22+$0xFFFFFFE0];
	v11 =	vsel vm4, s23, v7;
	s23 =	sadd.s32 $0xFFFFFFFE, s19;
	vm4 =	vgt.f32 v5, v9;
	v9 =	vmax.f32 v5, v9;
	v5 =	vmovc v13  }
0x61: {  	v7 =	vld [tilespmem:s22+$0xFFFFFFF0];
	v11 =	vsel vm4, s23, v11;
	s23 =	sadd.s32 $0xFFFFFFFF, s19;
	vm4 =	vgt.f32 v12, v9;
	v12 =	vmax.f32 v12, v9  }
0x62: {  	s22 =	sadd.s32 $0x80, s22;
	v9 =	vld [tilespmem:s18+$0x0];
	v11 =	vsel vm4, s23, v11;
	vm4 =	vgt.f32 v14, v12;
	v12 =	vmax.f32 v14, v12  }
0x63: {  	v13 =	vld [tilespmem:s18+$0x20]  }
0x64: {  	v14 =	vld [tilespmem:s18+$0x30];
	vm5 =	vgt.f32 v10, v12;
	v10 =	vmax.f32 v10, v12;
	v11 =	vsel vm4, s19, v11;
	_ =	swait.ge [sflag:s13], $0x8000  }
0x65: {  	s31 =	sadd.s32 $0xFFFFFFFA, s17;
	v11 =	vsel vm5, s20, v11;
	vm4 =	vgt.f32 v8, v10;
	v8 =	vmax.f32 v8, v10;
	[sflag:s13] =	ssyncset.done $0x0  }
0x66: {  	s19 =	sadd.s32 $0xFFFFFFFB, s17;
	s20 =	simm.s32 $0x8040;
	v10 =	vsel vm4, s31, v11;
	vm4 =	vgt.f32 v6, v8;
	v6 =	vmax.f32 v6, v8;
	[sflag:s13] =	ssyncadd.s32 $0xFFFF8000  }
0x67: {  	s21 =	sadd.s32 $0xFFFFFFFC, s17;
	v8 =	vsel vm4, s19, v10;
	vm4 =	vgt.f32 v7, v6;
	v6 =	vmax.f32 v7, v6;
	v10 =	vld [tilespmem:s20+$0x10]  }
0x68: {  	s22 =	sadd.s32 $0xFFFFFFFD, s17;
	v7 =	vsel vm4, s21, v8;
	vm4 =	vgt.f32 v9, v6;
	v6 =	vmax.f32 v9, v6;
	v8 =	vld [tilespmem:s20+$0xFFFFFFC0]  }
0x69: {  	s23 =	sadd.s32 $0xFFFFFFFE, s17;
	v9 =	vld [tilespmem:s20+$0xFFFFFFD0];
	v7 =	vsel vm4, s22, v7;
	vm4 =	vgt.f32 v5, v6  }
0x6a: {  	v15 =	vimm.s32 $0x0;
	v11 =	vld [tilespmem:s20+$0xFFFFFFE0];
	v5 =	vmax.f32 v5, v6;
	v6 =	vsel vm4, s23, v7  }
0x6b: {  	s24 =	sadd.s32 $0xFFFFFFFF, s17;
	v12 =	vld [tilespmem:s20+$0xFFFFFFF0];
	vm4 =	vgt.f32 v13, v5;
	v5 =	vmax.f32 v13, v5;
	v13 =	vimm.f32 $-Inf  }
0x6c: {  	v7 =	vsel vm4, s24, v6;
	vm4 =	vgt.f32 v14, v5;
	v6 =	vmax.f32 v14, v5;
	v14 =	vld [tilespmem:s20+$0x0]  }
0x6d: {  	s25 =	simm.s32 $0x0;
	v16 =	vld [tilespmem:s20+$0x30];
	v7 =	vsel vm4, s17, v7;
	vm4 =	vgt.f32 v8, v13;
	v8 =	vmax.f32 v8, v13  }
0x6e: {  	s18 =	simm.s32 $0x80C0;
	s26 =	simm.s32 $0x1;
	v13 =	vsel vm4, s25, v15;
	vm4 =	vgt.f32 v9, v8;
	v8 =	vmax.f32 v9, v8;
	v15 =	vld [tilespmem:s20+$0x20]  }
0x6f: {  	s28 =	simm.s32 $0x2;
	v5 =	vld [tilespmem:s18+$0x10];
	v9 =	vsel vm4, s26, v13;
	vm4 =	vgt.f32 v11, v8;
	v8 =	vmax.f32 v11, v8  }
0x70: {  	s29 =	simm.s32 $0x3;
	v11 =	vld [tilespmem:s18+$0xFFFFFFC0];
	v9 =	vsel vm4, s28, v9;
	vm4 =	vgt.f32 v12, v8;
	v12 =	vmax.f32 v12, v8  }
0x71: {  	s30 =	simm.s32 $0x4;
	v8 =	vld [tilespmem:s18+$0xFFFFFFD0];
	v13 =	vsel vm4, s29, v9;
	vm4 =	vgt.f32 v14, v12;
	v12 =	vmax.f32 v14, v12  }
0x72: {  	s31 =	simm.s32 $0x5;
	v9 =	vld [tilespmem:s18+$0xFFFFFFE0];
	v13 =	vsel vm4, s30, v13;
	vm4 =	vgt.f32 v10, v12;
	v12 =	vmax.f32 v10, v12  }
0x73: {  	s19 =	simm.s32 $0x7;
	s21 =	simm.s32 $0x17;
	s23 =	simm.s32 $0x6;
	v10 =	vld [tilespmem:s18+$0xFFFFFFF0];
	v13 =	vsel vm4, s31, v13;
	vm4 =	vgt.f32 v15, v12;
	v14 =	vmax.f32 v15, v12  }
0x74: {  	s22 =	simm.s32 $0x8140;
	s17 =	simm.s32 $0xF;
	s20 =	simm.s32 $0x8;
	v12 =	vld [tilespmem:s18+$0x0];
	v13 =	vsel vm4, s23, v13;
	vm4 =	vgt.f32 v16, v14;
	v14 =	vmax.f32 v16, v14  }
.LBB2_8:
0x75: {  	s23 =	sadd.s32 $0xFFFFFFF9, s21;
	p0 =	sne.s32 s21, $0x7FF  }
0x76: {  	v15 =	vld [tilespmem:s22+$0x10];
	vm5 =	vgt.f32 v11, v14;
	v11 =	vmax.f32 v11, v14;
	v13 =	vsel vm4, s19, v13;
	s19 =	smov.u32 s17;
	s17 =	smov.u32 s21;
	s21 =	sadd.s32 $0x8, s21  }
0x77: {  	v13 =	vsel vm5, s20, v13;
	s24 =	sadd.s32 $0xFFFFFFFA, s19;
	vm4 =	vgt.f32 v8, v11;
	v8 =	vmax.f32 v8, v11;
	v14 =	vld [tilespmem:s18+$0x20];
	s20 =	smov.u32 s23  }
0x78: {  	s23 =	sadd.s32 $0xFFFFFFFB, s19;
	v13 =	vsel vm4, s24, v13;
	vm4 =	vgt.f32 v9, v8;
	v8 =	vmax.f32 v9, v8;
	v16 =	vld [tilespmem:s18+$0x30];
	s18 =	smov.u32 s22  }
.Ltmp3:
0x79: {  	v11 =	vld [tilespmem:s22+$0xFFFFFFC0];
	v9 =	vsel vm4, s23, v13;
	s23 =	sadd.s32 $0xFFFFFFFC, s19;
	vm4 =	vgt.f32 v10, v8;
	v10 =	vmax.f32 v10, v8;
	(pc) =	sbr.rel @p0 .LBB2_8-.Ltmp3, $4  }
0x7a: {  	v8 =	vld [tilespmem:s22+$0xFFFFFFD0];
	v13 =	vsel vm4, s23, v9;
	s23 =	sadd.s32 $0xFFFFFFFD, s19;
	vm4 =	vgt.f32 v12, v10;
	v10 =	vmax.f32 v12, v10  }
0x7b: {  	v9 =	vld [tilespmem:s22+$0xFFFFFFE0];
	v12 =	vsel vm4, s23, v13;
	s23 =	sadd.s32 $0xFFFFFFFE, s19;
	vm4 =	vgt.f32 v5, v10;
	v13 =	vmax.f32 v5, v10;
	v5 =	vmovc v15  }
0x7c: {  	v10 =	vld [tilespmem:s22+$0xFFFFFFF0];
	v15 =	vsel vm4, s23, v12;
	s23 =	sadd.s32 $0xFFFFFFFF, s19;
	vm4 =	vgt.f32 v14, v13;
	v14 =	vmax.f32 v14, v13  }
0x7d: {  	s22 =	sadd.s32 $0x80, s22;
	v12 =	vld [tilespmem:s18+$0x0];
	v13 =	vsel vm4, s23, v15;
	vm4 =	vgt.f32 v16, v14;
	v14 =	vmax.f32 v16, v14  }
0x7e: {  	(xrf0) =	vmax.scan.msk.f32 $0xffff, v1;
	_ =	sdelay $0x5  }
0x7f: {  	v15, _, _ =	vpop (xrf0)  }
0x80: {  	v15 =	vbroadcast v15, $0xF  }
0x81: {  	v2 =	vshll.u32 v2, $0x4  }
0x82: {  	vm5 =	veq.f32 v1, v15;
	v1 =	vxor.u32 v0, v2  }
0x83: {  	v1 =	vnsel vm5, $0xFFFFFFFF, v1  }
0x84: {  	(xrf0) =	vmin.scan.msk.u32 $0xffff, v1  }
0x85: {  	(xrf0) =	vmax.scan.msk.f32 $0xffff, v3;
	_ =	sdelay $0x4  }
0x86: {  	v1, _, _ =	vpop (xrf0)  }
0x87: {  	v2, _, _ =	vpop (xrf0)  }
0x88: {  	v2 =	vbroadcast v2, $0xF  }
0x89: {  	v4 =	vshll.u32 v4, $0x4  }
0x8a: {  	vm5 =	veq.f32 v3, v2;
	v2 =	vxor.u32 v0, v4  }
0x8b: {  	v2 =	vnsel vm5, $0xFFFFFFFF, v2  }
0x8c: {  	(xrf0) =	vmin.scan.msk.u32 $0xffff, v2  }
0x8d: {  	(xrf0) =	vmax.scan.msk.f32 $0xffff, v6;
	_ =	sdelay $0x3  }
0x8e: {  	v2 =	vmax.f32 v11, v14  }
0x8f: {  	v57 =	vld [tilespmem:s18+$0x20];
	v3 =	vmax.f32 v8, v2;
	v58, _, _ =	vpop (xrf0)  }
0x90: {  	v17 =	vld [tilespmem:s18+$0x30];
	v16 =	vmax.f32 v9, v3;
	v18, _, _ =	vpop (xrf0)  }
0x91: {  	v19 =	vmax.f32 v10, v16;
	v18 =	vbroadcast v18, $0xF  }
0x92: {  	v7 =	vshll.u32 v7, $0x4;
	v20 =	vmax.f32 v12, v19  }
0x93: {  	v7 =	vxor.u32 v0, v7;
	v59 =	vmax.f32 v5, v20;
	vm5 =	veq.f32 v6, v18  }
0x94: {  	v60 =	vmax.f32 v57, v59;
	v7 =	vnsel vm5, $0xFFFFFFFF, v7  }
0x95: {  	v61 =	vsel vm4, s19, v13;
	v62 =	vmax.f32 v17, v60;
	vm5 =	vgt.f32 v11, v14;
	(xrf0) =	vmin.scan.msk.u32 $0xffff, v7  }
0x96: {  	vm4 =	vgt.f32 v8, v2;
	v2 =	vsel vm5, s20, v61;
	s20 =	sadd.s32 $0xFFFFFFFA, s17;
	(xrf0) =	vmax.scan.msk.f32 $0xffff, v62  }
0x97: {  	s21 =	sadd.s32 $0xFFFFFFFB, s17;
	vm5 =	vgt.f32 v9, v3;
	v2 =	vsel vm4, s20, v2  }
0x98: {  	s22 =	sadd.s32 $0xFFFFFFFC, s17;
	vm4 =	vgt.f32 v10, v16;
	v2 =	vsel vm5, s21, v2  }
0x99: {  	s23 =	sadd.s32 $0xFFFFFFFD, s17;
	v2 =	vsel vm4, s22, v2;
	vm4 =	vgt.f32 v12, v19  }
0x9a: {  	s24 =	sadd.s32 $0xFFFFFFFE, s17;
	v2 =	vsel vm4, s23, v2;
	vm4 =	vgt.f32 v5, v20  }
0x9b: {  	s25 =	sadd.s32 $0xFFFFFFFF, s17;
	v2 =	vsel vm4, s24, v2;
	vm4 =	vgt.f32 v57, v59;
	v3, _, _ =	vpop (xrf0)  }
0x9c: {  	v2 =	vsel vm4, s25, v2;
	vm4 =	vgt.f32 v17, v60;
	v63, _, _ =	vpop (xrf0)  }
0x9d: {  	v2 =	vsel vm4, s17, v2;
	v4 =	vbroadcast v63, $0xF  }
0x9e: {  	v2 =	vshll.u32 v2, $0x4  }
0x9f: {  	v2 =	vxor.u32 v0, v2;
	vm4 =	veq.f32 v62, v4  }
0xa0: {  	v2 =	vnsel vm4, $0xFFFFFFFF, v2  }
0xa1: {  	(xrf0) =	vmin.scan.msk.u32 $0xffff, v2;
	_ =	sdelay $0x2  }
0xa2: {  	(v2sf) =	vpush v1, $0xF;
	_ =	sdelay $0x1  }
0xa3: {  	(v2sf) =	vpush v58, $0xF  }
0xa4: {  	(v2sf) =	vpush v3, $0xF;
	v1, _, _ =	vpop (xrf0)  }
0xa5: {  	(v2sf) =	vpush v1, $0xF;
	_ =	sdelay $0xa  }
0xa6: {  	s26 =	spop (v2sf)  }
0xa7: {  	s17 =	sxor.u32 $0x80000000, s26  }
0xa8: {  	s28 =	spop (v2sf);
	v1 =	vmov s17  }
0xa9: {  	s18 =	sxor.u32 $0x80000000, s28;
	v1 =	vnsel vm0, $0x0, v1;
	s29 =	spop (v2sf)  }
0xaa: {  	v1 =	vsel vm1, s18, v1;
	s17 =	sxor.u32 $0x80000000, s29;
	s30 =	spop (v2sf)  }
0xab: {  	s16 =	sadd.s32 $0x1, s16;
	v1 =	vsel vm2, s17, v1;
	s31 =	sxor.u32 $0x80000000, s30  }
0xac: {  	p0 =	sne.s32 s16, s8;
	v1 =	vsel vm3, s31, v1  }
.Ltmp4:
0xad: {  	[tilespmem:$0x10000] =	vst v1;
	(pc) =	sbr.rel @p0 .LBB2_1-.Ltmp4, $4  }
0xae: {  	[hbm4b:s7+s1] =	stream.linear.scatter [tilespmem:s14], [sflag:$0x3], $0x80, $0x38;
	[tilespmem:$0x10080] =	vst v63  }
0xaf: {  	_ =	swait.ge [sflag:s15], $0x80  }
0xb0: {  	[sflag:s15] =	ssyncset.done $0x0  }
0xb1: {  	[sflag:s15] =	ssyncadd.s32 $0xFFFFFF80  }
0xb2: {  	_ =	sfence.sel $0x180000  }
0xb3: {  	[bflag:$0x0] =	sbarrier.arrive $0xFFFF  }
0xb4: {  	p0 =	sne.s32 s2, $0x0;
	_ =	strace $0x90000047  }
0xb5: {  	s0 =	sadd.s32 @!p0 $0x100000, s0;
	[bflag:$0x2] =	sbarrier.arrive $0xFFFF  }
0xb6: {  	[sflag:s0] =	ssyncadd.tile.s32 @!p0 $0x1;
	_ =	shalt  }
.Lfunc_end2:
_tile_overlayer_lowered:
.L_overlay_start_2:
0xb7: {  	(tag) =	ssettag $0x2  }
0xb8: {  	s0 =	rddreg [dreg:$0x0];
	s2 =	stileid.u32  }
0xb9: {  	s1 =	rddreg [dreg:$0x1];
	p0 =	sne.s32 s2, $0x0  }
0xba: {  	s3 =	rddreg [dreg:$0x2];
	[bflag:$0x3] =	sbarrier.arrive $0xFFFF;
	s2 =	simm.s32 @!p0 $0x1C03  }
0xbb: {  	[timem:s3], [sflag:s2] =	dma.local @!p0 [hbm:s0], s1  }
0xbc: {  	s0 =	simm.s32 @!p0 $0x3  }
0xbd: {  	_ =	swait.ge @!p0 [sflag:s0], s1  }
0xbe: {  	s1 =	ssub.s32 @!p0 $0x0, s1;
	[sflag:s0] =	ssyncset.done @!p0 $0x0  }
0xbf: {  	[sflag:s0] =	ssyncadd.s32 @!p0 s1  }
0xc0: {  	[bflag:$0x3] =	sbarrier.arrive $0xFFFF  }
0xc1: {  	_ =	shalt  }

</sc_bundles>
